<compile_context>
chip_gen: v7x
topology: tpu7x:2x2x1
jax: 0.10.2.dev20260603
libtpu: 0.0.44.dev20260713+nightly
codegen_flags: <defaults>
</compile_context>

<pallas_src>
import functools

import jax
import jax.numpy as jnp
from jax import lax
from jax.experimental import pallas as pl
from jax.experimental.pallas import tpu as pltpu
from jax.experimental.pallas import tpu_sc as plsc

N = 10000
E = 320000
D = 128
H = 64
G = 64
BN_EPS = 1e-3
EPS = 1e-5

NW = 32
N_PAD = 10240
ROWS_PER_TILE = N_PAD // 16
CHUNK = 128
NCHUNK = 80
EPT = CHUNK * NCHUNK
BLK = 256
NBLK = N_PAD // BLK


def _make_edge_agg(F):
  mesh = plsc.VectorSubcoreMesh(core_axis_name="c", subcore_axis_name="s",
                                num_cores=2, num_subcores=16)

  cp = (pltpu.CompilerParams(use_tc_tiling_on_sc=False) if F == H else None)

  @functools.partial(
      pl.kernel,
      out_type=jax.ShapeDtypeStruct((2 * N_PAD, F), jnp.float32),
      mesh=mesh,
      compiler_params=cp,
      scratch_types=[
          pltpu.VMEM((NCHUNK, CHUNK), jnp.int32),
          pltpu.VMEM((NCHUNK, CHUNK), jnp.int32),
          pltpu.VMEM((CHUNK, F), jnp.float32),
          pltpu.VMEM_SHARED((N_PAD, F), jnp.float32),
          pltpu.SemaphoreType.DMA,
      ],
  )
  def edge_kernel(hw_hbm, col_hbm, row_hbm, zeros_hbm, out_hbm,
                  colv, rowv, ring, agg, sems):
    c = lax.axis_index("c")
    s = lax.axis_index("s")
    pltpu.sync_copy(zeros_hbm, agg.at[pl.ds(s * ROWS_PER_TILE, ROWS_PER_TILE)])
    base = (c * 16 + s) * NCHUNK
    pltpu.sync_copy(col_hbm.at[pl.ds(base, NCHUNK)], colv)
    pltpu.sync_copy(row_hbm.at[pl.ds(base, NCHUNK)], rowv)
    plsc.subcore_barrier()

    def body(j, carry):
      pltpu.async_copy(hw_hbm.at[colv.at[j]], ring, sems).wait()
      pltpu.sync_copy(ring, agg.at[rowv.at[j]], add=True)
      return carry

    lax.fori_loop(0, NCHUNK, body, 0)
    plsc.subcore_barrier()
    pltpu.sync_copy(
        agg.at[pl.ds(s * ROWS_PER_TILE, ROWS_PER_TILE)],
        out_hbm.at[pl.ds(c * N_PAD + s * ROWS_PER_TILE, ROWS_PER_TILE)])

  return edge_kernel


_make_edge_agg = functools.lru_cache(maxsize=None)(_make_edge_agg)


def _make_edge_agg_ring64():
  F = H
  mesh = plsc.VectorSubcoreMesh(core_axis_name="c", subcore_axis_name="s",
                                num_cores=2, num_subcores=16)

  @functools.partial(
      pl.kernel,
      out_type=jax.ShapeDtypeStruct((4 * N_PAD, F), jnp.float32),
      mesh=mesh,
      compiler_params=pltpu.CompilerParams(use_tc_tiling_on_sc=False),
      scratch_types=[
          pltpu.VMEM((NCHUNK, CHUNK), jnp.int32),
          pltpu.VMEM((NCHUNK, CHUNK), jnp.int32),
          pltpu.VMEM((CHUNK, F), jnp.float32),
          pltpu.VMEM((CHUNK, F), jnp.float32),
          pltpu.VMEM_SHARED((N_PAD, F), jnp.float32),
          pltpu.VMEM_SHARED((N_PAD, F), jnp.float32),
          pltpu.SemaphoreType.DMA,
          pltpu.SemaphoreType.DMA,
      ],
  )
  def edge_kernel(hw_hbm, col_hbm, row_hbm, zeros_hbm, out_hbm,
                  colv, rowv, bufa, bufb, agga, aggb, sema, semb):
    c = lax.axis_index("c")
    s = lax.axis_index("s")
    pltpu.sync_copy(zeros_hbm, agga.at[pl.ds(s * ROWS_PER_TILE,
                                             ROWS_PER_TILE)])
    pltpu.sync_copy(zeros_hbm, aggb.at[pl.ds(s * ROWS_PER_TILE,
                                             ROWS_PER_TILE)])
    base = (c * 16 + s) * NCHUNK
    pltpu.sync_copy(col_hbm.at[pl.ds(base, NCHUNK)], colv)
    pltpu.sync_copy(row_hbm.at[pl.ds(base, NCHUNK)], rowv)
    plsc.subcore_barrier()

    pltpu.async_copy(hw_hbm.at[colv.at[0]], bufa, sema)
    pltpu.async_copy(hw_hbm.at[colv.at[1]], bufb, semb)

    def group(k, carry):
      ja = 2 * k
      jb = 2 * k + 1
      pltpu.make_async_copy(hw_hbm.at[colv.at[ja]], bufa, sema).wait()
      pltpu.sync_copy(bufa, agga.at[rowv.at[ja]], add=True)

      @pl.when(ja + 2 < NCHUNK)
      def _():
        pltpu.async_copy(hw_hbm.at[colv.at[ja + 2]], bufa, sema)

      pltpu.make_async_copy(hw_hbm.at[colv.at[jb]], bufb, semb).wait()
      pltpu.sync_copy(bufb, aggb.at[rowv.at[jb]], add=True)

      @pl.when(jb + 2 < NCHUNK)
      def _():
        pltpu.async_copy(hw_hbm.at[colv.at[jb + 2]], bufb, semb)

      return carry

    lax.fori_loop(0, NCHUNK // 2, group, 0)
    plsc.subcore_barrier()
    pltpu.sync_copy(
        agga.at[pl.ds(s * ROWS_PER_TILE, ROWS_PER_TILE)],
        out_hbm.at[pl.ds(2 * c * N_PAD + s * ROWS_PER_TILE, ROWS_PER_TILE)])
    pltpu.sync_copy(
        aggb.at[pl.ds(s * ROWS_PER_TILE, ROWS_PER_TILE)],
        out_hbm.at[pl.ds((2 * c + 1) * N_PAD + s * ROWS_PER_TILE,
                         ROWS_PER_TILE)])

  return edge_kernel


_make_edge_agg_ring64 = functools.lru_cache(maxsize=None)(_make_edge_agg_ring64)

F128 = 2 * H


def _mm0(xp, w0):
  def body(x_ref, w_ref, o_ref):
    o_ref[...] = jnp.dot(x_ref[...], w_ref[...],
                         preferred_element_type=jnp.float32)
  return pl.pallas_call(
      body,
      grid=(NBLK,),
      in_specs=[
          pl.BlockSpec((BLK, D), lambda i: (i, 0)),
          pl.BlockSpec((D, H), lambda i: (0, 0)),
      ],
      out_specs=pl.BlockSpec((BLK, H), lambda i: (i, 0)),
      out_shape=jax.ShapeDtypeStruct((N_PAD, H), jnp.float32),
  )(xp, w0)


def _mm1(agg0, b0, w1):
  def body(a_ref, b_ref, w_ref, o_ref):
    h = a_ref[0] + a_ref[1] + a_ref[2] + a_ref[3] + b_ref[...]
    h = jnp.maximum(h, 0.0)
    o_ref[...] = jnp.dot(h, w_ref[...], preferred_element_type=jnp.float32)
  return pl.pallas_call(
      body,
      grid=(NBLK,),
      in_specs=[
          pl.BlockSpec((4, BLK, H), lambda i: (0, i, 0)),
          pl.BlockSpec((1, H), lambda i: (0, 0)),
          pl.BlockSpec((H, 2 * H), lambda i: (0, 0)),
      ],
      out_specs=pl.BlockSpec((BLK, 2 * H), lambda i: (i, 0)),
      out_shape=jax.ShapeDtypeStruct((N_PAD, 2 * H), jnp.float32),
  )(agg0.reshape(4, N_PAD, H), b0.reshape(1, H), w1)


def _pool(xp, agg1, b1, seg3, seg_col):
  F = 2 * H

  def body(x_ref, a_ref, b_ref, s_ref, sc_ref,
           sumh_o, maxh_o, sumx_o, sqx_o, maxx_o, minx_o, cnt_o,
           sumh_s, maxh_s, sumx_s, sqx_s, maxx_s, minx_s, cnt_s):
    i = pl.program_id(0)

    @pl.when(i == 0)
    def _init():
      sumh_s[...] = jnp.zeros_like(sumh_s)
      sumx_s[...] = jnp.zeros_like(sumx_s)
      sqx_s[...] = jnp.zeros_like(sqx_s)
      cnt_s[...] = jnp.zeros_like(cnt_s)
      maxh_s[...] = jnp.full_like(maxh_s, -jnp.inf)
      maxx_s[...] = jnp.full_like(maxx_s, -jnp.inf)
      minx_s[...] = jnp.full_like(minx_s, jnp.inf)

    seg = s_ref[0, 0, :]
    xc = x_ref[...]
    h2 = jnp.maximum(a_ref[0] + a_ref[1] + b_ref[...], 0.0)

    onehot = (seg[None, :] ==
              lax.broadcasted_iota(jnp.int32, (G, BLK), 0)).astype(jnp.float32)
    sumh_s[...] += jnp.dot(onehot, h2, preferred_element_type=jnp.float32)
    sumx_s[...] += jnp.dot(onehot, xc, preferred_element_type=jnp.float32)
    sqx_s[...] += jnp.dot(onehot, xc * xc, preferred_element_type=jnp.float32)
    cnt_s[...] += jnp.sum(onehot, axis=1)[:, None]

    g_lo = seg[0]
    g_hi = jnp.minimum(seg[BLK - 1], G - 1)

    seg_c = sc_ref[...]

    def gbody(g, carry):
      m = (seg_c == g)
      hg = jnp.max(jnp.where(m, h2, -jnp.inf), axis=0)[None, :]
      xg = jnp.max(jnp.where(m, xc, -jnp.inf), axis=0)[None, :]
      ng = jnp.min(jnp.where(m, xc, jnp.inf), axis=0)[None, :]
      maxh_s[pl.ds(g, 1), :] = jnp.maximum(maxh_s[pl.ds(g, 1), :], hg)
      maxx_s[pl.ds(g, 1), :] = jnp.maximum(maxx_s[pl.ds(g, 1), :], xg)
      minx_s[pl.ds(g, 1), :] = jnp.minimum(minx_s[pl.ds(g, 1), :], ng)
      return carry

    lax.fori_loop(g_lo, g_hi + 1, gbody, 0)

    @pl.when(i == NBLK - 1)
    def _write():
      sumh_o[...] = sumh_s[...]
      maxh_o[...] = maxh_s[...]
      sumx_o[...] = sumx_s[...]
      sqx_o[...] = sqx_s[...]
      maxx_o[...] = maxx_s[...]
      minx_o[...] = minx_s[...]
      cnt_o[...] = cnt_s[...]

  out_sds = [jax.ShapeDtypeStruct((G, D), jnp.float32)] * 7
  out_spec = pl.BlockSpec((G, D), lambda i: (0, 0))
  return pl.pallas_call(
      body,
      grid=(NBLK,),
      in_specs=[
          pl.BlockSpec((BLK, D), lambda i: (i, 0)),
          pl.BlockSpec((2, BLK, F), lambda i: (0, i, 0)),
          pl.BlockSpec((1, F), lambda i: (0, 0)),
          pl.BlockSpec((1, 1, BLK), lambda i: (i, 0, 0)),
          pl.BlockSpec((BLK, 1), lambda i: (i, 0)),
      ],
      out_specs=[out_spec] * 7,
      out_shape=out_sds,
      scratch_shapes=[pltpu.VMEM((G, D), jnp.float32)] * 7,
  )(xp, agg1.reshape(2, N_PAD, 2 * H), b1.reshape(1, 2 * H), seg3,
    seg3.reshape(N_PAD, 1))


def _decoder(pooled, params):
  (sumh, maxh, sumx, sqx, maxx, minx, cnt) = pooled
  pnames = []
  for li in range(3):
    pnames += ['dec%d_w' % li, 'dec%d_b' % li, 'bn%d_gamma' % li,
               'bn%d_beta' % li, 'bn%d_mean' % li, 'bn%d_var' % li]
  for hn in ('loge0', 'loge1', 'loge_out', 'ang0', 'ang1', 'ang_out',
             'ang_scale', 'sig0', 'sig1', 'sig_out'):
    pnames += [hn + '_w', hn + '_b']
  pvals = [params[n].reshape(1, -1) if params[n].ndim == 1 else params[n]
           for n in pnames]

  def body(sumh_r, maxh_r, sumx_r, sqx_r, maxx_r, minx_r, cnt_r,
           *refs):
    p = {n: r[...] for n, r in zip(pnames, refs[:-1])}
    o_ref = refs[-1]
    cnt = jnp.maximum(cnt_r[...][:, :1], 1.0)
    sumh = sumh_r[...]
    avg = sumx_r[...] / cnt
    var = jnp.abs(sqx_r[...] / cnt - avg * avg)
    z = jnp.concatenate([maxh_r[...], sumh / cnt, sumh,
                         avg, var, maxx_r[...], minx_r[...]], axis=1)
    for li in range(3):
      z = jnp.dot(z, p['dec%d_w' % li],
                  preferred_element_type=jnp.float32) + p['dec%d_b' % li]
      z = jnp.where(z >= 0, z, 0.15 * z)
      z = ((z - p['bn%d_mean' % li]) *
           lax.rsqrt(p['bn%d_var' % li] + BN_EPS) * p['bn%d_gamma' % li] +
           p['bn%d_beta' % li])

    def dense(t, name):
      return jnp.dot(t, p[name + '_w'],
                     preferred_element_type=jnp.float32) + p[name + '_b']

    x_loge = dense(dense(dense(z, 'loge0'), 'loge1'), 'loge_out')
    x_ang = dense(dense(dense(z, 'ang0'), 'ang1'), 'ang_out')
    zeniazi = jax.nn.sigmoid(dense(x_ang, 'ang_scale'))
    x_sigs = jnp.abs(dense(dense(dense(z, 'sig0'), 'sig1'), 'sig_out')) + EPS
    pi = 3.14159265358979323846
    o_ref[...] = jnp.concatenate(
        [x_loge[:, 0:1], zeniazi[:, 0:1] * pi, zeniazi[:, 1:2] * (2.0 * pi),
         x_sigs], axis=1)

  return pl.pallas_call(
      body,
      out_shape=jax.ShapeDtypeStruct((G, 5), jnp.float32),
  )(sumh, maxh, sumx, sqx, maxx, minx, cnt, *pvals)


def kernel(x, edge_index, segment_ids, params):
  xp = jnp.pad(x, ((0, N_PAD - N), (0, 0)))
  seg3 = jnp.pad(segment_ids, (0, N_PAD - N),
                 constant_values=G).reshape(NBLK, 1, BLK)
  row = edge_index[0].reshape(NW, E // NW)
  col = edge_index[1].reshape(NW, E // NW)
  pad = EPT - E // NW
  row_flat = jnp.pad(row, ((0, 0), (0, pad)),
                     constant_values=N).reshape(NW * NCHUNK, CHUNK)
  col_flat = jnp.pad(col, ((0, 0), (0, pad)),
                     constant_values=0).reshape(NW * NCHUNK, CHUNK)
  z64 = jnp.zeros((ROWS_PER_TILE, H), jnp.float32)
  z128 = jnp.zeros((ROWS_PER_TILE, F128), jnp.float32)

  hw0 = _mm0(xp, params['gcn0_w'])
  agg0 = _make_edge_agg_ring64()(hw0, col_flat, row_flat, z64)
  hw1 = _mm1(agg0, params['gcn0_b'], params['gcn1_w'])
  agg1 = _make_edge_agg(F128)(hw1, col_flat, row_flat, z128)
  pooled = _pool(xp, agg1, params['gcn1_b'], seg3, seg3)
  return _decoder(pooled, params)

# --- scband reference (transcript-rebuilt; emitter-appended) ---
"""Pipeline reference for scband-gcn-3015067042504 (READ-ONLY COPY).

The authoritative reference and input builder live on the scoring server;
editing this copy changes nothing except your own understanding.
"""

import jax, jax.numpy as jnp
import numpy as np

N = 10000
E = 320000
D = 128
H = 64
G = 64
BN_EPS = 1e-3
EPS = 1e-5
DEC_DIMS = [128, 256, 512]
HEAD_SPECS = [('loge0', 512, 64), ('loge1', 64, 64), ('loge_out', 64, 1), ('ang0', 512, 64), ('ang1', 64, 64), ('ang_out', 64, 2), ('ang_scale', 2, 2), ('sig0', 512, 64), ('sig1', 64, 64), ('sig_out', 64, 2)]

def _glorot(key, shape):
    limit = float(np.sqrt(6.0 / (shape[0] + shape[1])))
    return jax.random.uniform(key, shape, minval=-limit, maxval=limit, dtype=jnp.float32)

def setup_inputs(seed: int = 0):
    key = jax.random.key(seed)
    k = [jax.random.fold_in(key, i) for i in range(64)]
    x = jax.random.normal(k[0], (N, D), dtype=jnp.float32)
    edge_index = jax.random.randint(k[1], (2, E), 0, N, dtype=jnp.int32)
    segment_ids = jnp.sort(jax.random.randint(k[2], (N,), 0, G, dtype=jnp.int32))
    params = {}
    params['gcn0_w'] = _glorot(k[3], (D, H))
    params['gcn0_b'] = jnp.zeros((H,), jnp.float32)
    params['gcn1_w'] = _glorot(k[4], (H, 2 * H))
    params['gcn1_b'] = jnp.zeros((2 * H,), jnp.float32)
    in_dim = 3 * (2 * H) + 4 * D
    for li, dd in enumerate(DEC_DIMS):
        params['dec%d_w' % li] = _glorot(k[5 + li], (in_dim, dd))
        params['dec%d_b' % li] = jnp.zeros((dd,), jnp.float32)
        params['bn%d_gamma' % li] = jnp.ones((dd,), jnp.float32)
        params['bn%d_beta' % li] = jnp.zeros((dd,), jnp.float32)
        params['bn%d_mean' % li] = jnp.zeros((dd,), jnp.float32)
        params['bn%d_var' % li] = jnp.ones((dd,), jnp.float32)
        in_dim = dd
    for j, (name, fi, fo) in enumerate(HEAD_SPECS):
        params[name + '_w'] = _glorot(k[16 + j], (fi, fo))
        params[name + '_b'] = jnp.zeros((fo,), jnp.float32)
    return {'x': x, 'edge_index': edge_index, 'segment_ids': segment_ids, 'params': params}

def _forward(x, params, edge_index, segment_ids):
    row = edge_index[0]
    col = edge_index[1]
    ones = jnp.ones((x.shape[0],), jnp.float32)
    counts = jnp.maximum(jax.ops.segment_sum(ones, segment_ids, num_segments=G), 1.0)[:, None]
    glob_avg = jax.ops.segment_sum(x, segment_ids, num_segments=G) / counts
    glob_var = jnp.abs(jax.ops.segment_sum(x * x, segment_ids, num_segments=G) / counts - glob_avg * glob_avg)
    glob_max = jax.ops.segment_max(x, segment_ids, num_segments=G)
    glob_min = jax.ops.segment_min(x, segment_ids, num_segments=G)
    xglob = jnp.concatenate([glob_avg, glob_var, glob_max, glob_min], axis=1)
    h = x
    for li in range(2):
        w = params['gcn%d_w' % li]
        b = params['gcn%d_b' % li]
        hw = h @ w
        agg = jnp.zeros((h.shape[0], hw.shape[1]), hw.dtype).at[row].add(jnp.take(hw, col, axis=0))
        h = jax.nn.relu(agg + b)
    x1 = jax.ops.segment_max(h, segment_ids, num_segments=G)
    x2 = jax.ops.segment_sum(h, segment_ids, num_segments=G) / counts
    x3 = jax.ops.segment_sum(h, segment_ids, num_segments=G)
    z = jnp.concatenate([x1, x2, x3, xglob], axis=1)
    for li in range(3):
        z = z @ params['dec%d_w' % li] + params['dec%d_b' % li]
        z = jnp.where(z >= 0, z, 0.15 * z)
        z = (z - params['bn%d_mean' % li]) / jnp.sqrt(params['bn%d_var' % li] + BN_EPS) * params['bn%d_gamma' % li] + params['bn%d_beta' % li]
    def dense(t, name):
        return t @ params[name + '_w'] + params[name + '_b']
    x_loge = dense(dense(dense(z, 'loge0'), 'loge1'), 'loge_out')
    x_ang = dense(dense(dense(z, 'ang0'), 'ang1'), 'ang_out')
    zeniazi = jax.nn.sigmoid(dense(x_ang, 'ang_scale'))
    x_sigs = jnp.abs(dense(dense(dense(z, 'sig0'), 'sig1'), 'sig_out')) + EPS
    xs = jnp.stack([x_loge[:, 0], zeniazi[:, 0] * np.pi, zeniazi[:, 1] * 2.0 * np.pi], axis=1)
    return jnp.concatenate([xs, x_sigs], axis=1)

def reference(x, edge_index, segment_ids, params):
    return _forward(x, params, edge_index, segment_ids)

if __name__ == "__main__":
    import jax
    _d = setup_inputs()
    print(jax.jit(kernel)(*tuple(_d.values())))

</pallas_src>

<mosaic_0001>
#map = affine_map<(d0, d1) -> (0, 0)>
module attributes {stable_mosaic.version = 14 : i64} {
  func.func @edge_kernel(%arg0: i32, %arg1: i32, %arg2: memref<10240x64xf32, #tpu.memory_space<hbm>>, %arg3: memref<2560x128xi32, #tpu.memory_space<hbm>>, %arg4: memref<2560x128xi32, #tpu.memory_space<hbm>>, %arg5: memref<640x64xf32, #tpu.memory_space<hbm>>, %arg6: memref<40960x64xf32, #tpu.memory_space<hbm>>, %arg7: memref<80x128xi32, #tpu.memory_space<vmem>>, %arg8: memref<80x128xi32, #tpu.memory_space<vmem>>, %arg9: memref<128x64xf32, #tpu.memory_space<vmem>>, %arg10: memref<128x64xf32, #tpu.memory_space<vmem>>, %arg11: memref<10240x64xf32, #tpu.memory_space<vmem_shared>>, %arg12: memref<10240x64xf32, #tpu.memory_space<vmem_shared>>, %arg13: memref<!tpu.dma_semaphore, #tpu.memory_space<semaphore_mem>>, %arg14: memref<!tpu.dma_semaphore, #tpu.memory_space<semaphore_mem>>) attributes {dimension_semantics = [#tpu.dimension_semantics<core_parallel>, #tpu.dimension_semantics<subcore_parallel>], iteration_bounds = array<i64: 2, 16>, scalar_prefetch = 0 : i64, scratch_operands = 8 : i64, tpu.core_type = #tpu.core_type<sc_vector_subcore>, window_params = [{transform_indices = #map}, {transform_indices = #map}, {transform_indices = #map}, {transform_indices = #map}, {transform_indices = #map}]} {
    %mul3A = arith.constant 640 : i32
    %mul3A_0 = arith.muli %arg1, %mul3A : i32
    "tpu.region"() ({
      %run_scoped3A = tpu.sem_alloc : memref<!tpu.dma_semaphore, #tpu.memory_space<semaphore_mem>>
      %dma_start3A_46 = arith.constant 0 : i32
      %dma_start3A_47 = tpu.memref_slice %arg11[%mul3A_0, %dma_start3A_46] : memref<10240x64xf32, #tpu.memory_space<vmem_shared>> -> memref<640x64xf32, #tpu.memory_space<vmem_shared>>
      tpu.enqueue_dma source(%arg5 : memref<640x64xf32, #tpu.memory_space<hbm>>) target(%dma_start3A_47 : memref<640x64xf32, #tpu.memory_space<vmem_shared>>) target_semaphore(%run_scoped3A : memref<!tpu.dma_semaphore, #tpu.memory_space<semaphore_mem>>)
      %dma_wait3A = arith.constant 0 : i32
      %dma_wait3A_48 = tpu.memref_slice %arg11[%mul3A_0, %dma_wait3A] : memref<10240x64xf32, #tpu.memory_space<vmem_shared>> -> memref<640x64xf32, #tpu.memory_space<vmem_shared>>
      tpu.wait_dma2 semaphore(%run_scoped3A : memref<!tpu.dma_semaphore, #tpu.memory_space<semaphore_mem>>) src(%arg5 : memref<640x64xf32, #tpu.memory_space<hbm>>) dst(%dma_wait3A_48 : memref<640x64xf32, #tpu.memory_space<vmem_shared>>)
      tpu.yield
    }) : () -> ()
    %mul3A_1 = arith.constant 640 : i32
    %mul3A_2 = arith.muli %arg1, %mul3A_1 : i32
    "tpu.region"() ({
      %run_scoped3A = tpu.sem_alloc : memref<!tpu.dma_semaphore, #tpu.memory_space<semaphore_mem>>
      %dma_start3A_46 = arith.constant 0 : i32
      %dma_start3A_47 = tpu.memref_slice %arg12[%mul3A_2, %dma_start3A_46] : memref<10240x64xf32, #tpu.memory_space<vmem_shared>> -> memref<640x64xf32, #tpu.memory_space<vmem_shared>>
      tpu.enqueue_dma source(%arg5 : memref<640x64xf32, #tpu.memory_space<hbm>>) target(%dma_start3A_47 : memref<640x64xf32, #tpu.memory_space<vmem_shared>>) target_semaphore(%run_scoped3A : memref<!tpu.dma_semaphore, #tpu.memory_space<semaphore_mem>>)
      %dma_wait3A = arith.constant 0 : i32
      %dma_wait3A_48 = tpu.memref_slice %arg12[%mul3A_2, %dma_wait3A] : memref<10240x64xf32, #tpu.memory_space<vmem_shared>> -> memref<640x64xf32, #tpu.memory_space<vmem_shared>>
      tpu.wait_dma2 semaphore(%run_scoped3A : memref<!tpu.dma_semaphore, #tpu.memory_space<semaphore_mem>>) src(%arg5 : memref<640x64xf32, #tpu.memory_space<hbm>>) dst(%dma_wait3A_48 : memref<640x64xf32, #tpu.memory_space<vmem_shared>>)
      tpu.yield
    }) : () -> ()
    %mul3A_3 = arith.constant 16 : i32
    %mul3A_4 = arith.muli %arg0, %mul3A_3 : i32
    %add3A = arith.addi %mul3A_4, %arg1 : i32
    %mul3A_5 = arith.constant 80 : i32
    %mul3A_6 = arith.muli %add3A, %mul3A_5 : i32
    "tpu.region"() ({
      %run_scoped3A = tpu.sem_alloc : memref<!tpu.dma_semaphore, #tpu.memory_space<semaphore_mem>>
      %dma_start3A_46 = arith.constant 0 : i32
      %dma_start3A_47 = tpu.memref_slice %arg3[%mul3A_6, %dma_start3A_46] : memref<2560x128xi32, #tpu.memory_space<hbm>> -> memref<80x128xi32, #tpu.memory_space<hbm>>
      %dma_start3A_48 = arith.constant 0 : i32
      %dma_start3A_49 = tpu.memref_slice %arg3[%mul3A_6, %dma_start3A_48] : memref<2560x128xi32, #tpu.memory_space<hbm>> -> memref<80x128xi32, #tpu.memory_space<hbm>>
      tpu.enqueue_dma source(%dma_start3A_49 : memref<80x128xi32, #tpu.memory_space<hbm>>) target(%arg7 : memref<80x128xi32, #tpu.memory_space<vmem>>) target_semaphore(%run_scoped3A : memref<!tpu.dma_semaphore, #tpu.memory_space<semaphore_mem>>)
      %dma_wait3A = arith.constant 0 : i32
      %dma_wait3A_50 = tpu.memref_slice %arg3[%mul3A_6, %dma_wait3A] : memref<2560x128xi32, #tpu.memory_space<hbm>> -> memref<80x128xi32, #tpu.memory_space<hbm>>
      %dma_wait3A_51 = arith.constant 0 : i32
      %dma_wait3A_52 = tpu.memref_slice %arg3[%mul3A_6, %dma_wait3A_51] : memref<2560x128xi32, #tpu.memory_space<hbm>> -> memref<80x128xi32, #tpu.memory_space<hbm>>
      tpu.wait_dma2 semaphore(%run_scoped3A : memref<!tpu.dma_semaphore, #tpu.memory_space<semaphore_mem>>) src(%dma_wait3A_52 : memref<80x128xi32, #tpu.memory_space<hbm>>) dst(%arg7 : memref<80x128xi32, #tpu.memory_space<vmem>>)
      tpu.yield
    }) : () -> ()
    "tpu.region"() ({
      %run_scoped3A = tpu.sem_alloc : memref<!tpu.dma_semaphore, #tpu.memory_space<semaphore_mem>>
      %dma_start3A_46 = arith.constant 0 : i32
      %dma_start3A_47 = tpu.memref_slice %arg4[%mul3A_6, %dma_start3A_46] : memref<2560x128xi32, #tpu.memory_space<hbm>> -> memref<80x128xi32, #tpu.memory_space<hbm>>
      %dma_start3A_48 = arith.constant 0 : i32
      %dma_start3A_49 = tpu.memref_slice %arg4[%mul3A_6, %dma_start3A_48] : memref<2560x128xi32, #tpu.memory_space<hbm>> -> memref<80x128xi32, #tpu.memory_space<hbm>>
      tpu.enqueue_dma source(%dma_start3A_49 : memref<80x128xi32, #tpu.memory_space<hbm>>) target(%arg8 : memref<80x128xi32, #tpu.memory_space<vmem>>) target_semaphore(%run_scoped3A : memref<!tpu.dma_semaphore, #tpu.memory_space<semaphore_mem>>)
      %dma_wait3A = arith.constant 0 : i32
      %dma_wait3A_50 = tpu.memref_slice %arg4[%mul3A_6, %dma_wait3A] : memref<2560x128xi32, #tpu.memory_space<hbm>> -> memref<80x128xi32, #tpu.memory_space<hbm>>
      %dma_wait3A_51 = arith.constant 0 : i32
      %dma_wait3A_52 = tpu.memref_slice %arg4[%mul3A_6, %dma_wait3A_51] : memref<2560x128xi32, #tpu.memory_space<hbm>> -> memref<80x128xi32, #tpu.memory_space<hbm>>
      tpu.wait_dma2 semaphore(%run_scoped3A : memref<!tpu.dma_semaphore, #tpu.memory_space<semaphore_mem>>) src(%dma_wait3A_52 : memref<80x128xi32, #tpu.memory_space<hbm>>) dst(%arg8 : memref<80x128xi32, #tpu.memory_space<vmem>>)
      tpu.yield
    }) : () -> ()
    %barrier3A = arith.constant 0 : index
    tpu.barrier barrier_id(%barrier3A)
    %dma_start3A = arith.constant 0 : i32
    %dma_start3A_7 = arith.constant 0 : i32
    %dma_start3A_8 = tpu.memref_slice %arg7[%dma_start3A, %dma_start3A_7] : memref<80x128xi32, #tpu.memory_space<vmem>> -> memref<1x128xi32, #tpu.memory_space<vmem>>
    %dma_start3A_9 = tpu.memref_squeeze %dma_start3A_8 : memref<1x128xi32, #tpu.memory_space<vmem>> -> memref<128xi32, #tpu.memory_space<vmem>>
    %dma_start3A_10 = arith.constant 0 : i32
    %dma_start3A_11 = arith.constant 0 : i32
    %dma_start3A_12 = tpu.memref_slice %arg2[%dma_start3A_10, %dma_start3A_11] : memref<10240x64xf32, #tpu.memory_space<hbm>> -> memref<10240x64xf32, #tpu.memory_space<hbm>>
    tpu.enqueue_indirect_dma source(%dma_start3A_12 : memref<10240x64xf32, #tpu.memory_space<hbm>>) target(%arg9 : memref<128x64xf32, #tpu.memory_space<vmem>>) offsets(%dma_start3A_9 : memref<128xi32, #tpu.memory_space<vmem>>) semaphore(%arg13 : memref<!tpu.dma_semaphore, #tpu.memory_space<semaphore_mem>>)
    %dma_start3A_13 = arith.constant 1 : i32
    %dma_start3A_14 = arith.constant 0 : i32
    %dma_start3A_15 = tpu.memref_slice %arg7[%dma_start3A_13, %dma_start3A_14] : memref<80x128xi32, #tpu.memory_space<vmem>> -> memref<1x128xi32, #tpu.memory_space<vmem>>
    %dma_start3A_16 = tpu.memref_squeeze %dma_start3A_15 : memref<1x128xi32, #tpu.memory_space<vmem>> -> memref<128xi32, #tpu.memory_space<vmem>>
    %dma_start3A_17 = arith.constant 0 : i32
    %dma_start3A_18 = arith.constant 0 : i32
    %dma_start3A_19 = tpu.memref_slice %arg2[%dma_start3A_17, %dma_start3A_18] : memref<10240x64xf32, #tpu.memory_space<hbm>> -> memref<10240x64xf32, #tpu.memory_space<hbm>>
    tpu.enqueue_indirect_dma source(%dma_start3A_19 : memref<10240x64xf32, #tpu.memory_space<hbm>>) target(%arg10 : memref<128x64xf32, #tpu.memory_space<vmem>>) offsets(%dma_start3A_16 : memref<128xi32, #tpu.memory_space<vmem>>) semaphore(%arg14 : memref<!tpu.dma_semaphore, #tpu.memory_space<semaphore_mem>>)
    %scan3A = arith.constant 0 : i32
    %scan3A_20 = arith.constant 0 : i32
    %scan3A_21 = arith.constant 40 : i32
    %scan3A_22 = arith.addi %scan3A_20, %scan3A_21 : i32
    %scan3A_23 = arith.constant 1 : i32
    scf.for %scan3A_46 = %scan3A_20 to %scan3A_22 step %scan3A_23  : i32 {
      %mul3A_47 = arith.constant 2 : i32
      %mul3A_48 = arith.muli %mul3A_47, %scan3A_46 : i32
      %mul3A_49 = arith.constant 2 : i32
      %mul3A_50 = arith.muli %mul3A_49, %scan3A_46 : i32
      %add3A_51 = arith.constant 1 : i32
      %add3A_52 = arith.addi %mul3A_50, %add3A_51 : i32
      %dma_wait3A = arith.constant 0 : i32
      %dma_wait3A_53 = tpu.memref_slice %arg7[%mul3A_48, %dma_wait3A] : memref<80x128xi32, #tpu.memory_space<vmem>> -> memref<1x128xi32, #tpu.memory_space<vmem>>
      %dma_wait3A_54 = tpu.memref_squeeze %dma_wait3A_53 : memref<1x128xi32, #tpu.memory_space<vmem>> -> memref<128xi32, #tpu.memory_space<vmem>>
      %dma_wait3A_55 = arith.constant 0 : i32
      %dma_wait3A_56 = arith.constant 0 : i32
      %dma_wait3A_57 = tpu.memref_slice %arg2[%dma_wait3A_55, %dma_wait3A_56] : memref<10240x64xf32, #tpu.memory_space<hbm>> -> memref<10240x64xf32, #tpu.memory_space<hbm>>
      tpu.wait_indirect_dma semaphore(%arg13 : memref<!tpu.dma_semaphore, #tpu.memory_space<semaphore_mem>>) src(%dma_wait3A_57 : memref<10240x64xf32, #tpu.memory_space<hbm>>) dst(%arg9 : memref<128x64xf32, #tpu.memory_space<vmem>>)
      "tpu.region"() ({
        %run_scoped3A = tpu.sem_alloc : memref<!tpu.dma_semaphore, #tpu.memory_space<semaphore_mem>>
        %dma_start3A_75 = arith.constant 0 : i32
        %dma_start3A_76 = tpu.memref_slice %arg8[%mul3A_48, %dma_start3A_75] : memref<80x128xi32, #tpu.memory_space<vmem>> -> memref<1x128xi32, #tpu.memory_space<vmem>>
        %dma_start3A_77 = tpu.memref_squeeze %dma_start3A_76 : memref<1x128xi32, #tpu.memory_space<vmem>> -> memref<128xi32, #tpu.memory_space<vmem>>
        %dma_start3A_78 = arith.constant 0 : i32
        %dma_start3A_79 = arith.constant 0 : i32
        %dma_start3A_80 = tpu.memref_slice %arg11[%dma_start3A_78, %dma_start3A_79] : memref<10240x64xf32, #tpu.memory_space<vmem_shared>> -> memref<10240x64xf32, #tpu.memory_space<vmem_shared>>
        tpu.enqueue_indirect_dma source(%arg9 : memref<128x64xf32, #tpu.memory_space<vmem>>) target(%dma_start3A_80 : memref<10240x64xf32, #tpu.memory_space<vmem_shared>>) offsets(%dma_start3A_77 : memref<128xi32, #tpu.memory_space<vmem>>) semaphore(%run_scoped3A : memref<!tpu.dma_semaphore, #tpu.memory_space<semaphore_mem>>) {add = true}
        %dma_wait3A_81 = arith.constant 0 : i32
        %dma_wait3A_82 = tpu.memref_slice %arg8[%mul3A_48, %dma_wait3A_81] : memref<80x128xi32, #tpu.memory_space<vmem>> -> memref<1x128xi32, #tpu.memory_space<vmem>>
        %dma_wait3A_83 = tpu.memref_squeeze %dma_wait3A_82 : memref<1x128xi32, #tpu.memory_space<vmem>> -> memref<128xi32, #tpu.memory_space<vmem>>
        %dma_wait3A_84 = arith.constant 0 : i32
        %dma_wait3A_85 = arith.constant 0 : i32
        %dma_wait3A_86 = tpu.memref_slice %arg11[%dma_wait3A_84, %dma_wait3A_85] : memref<10240x64xf32, #tpu.memory_space<vmem_shared>> -> memref<10240x64xf32, #tpu.memory_space<vmem_shared>>
        tpu.wait_indirect_dma semaphore(%run_scoped3A : memref<!tpu.dma_semaphore, #tpu.memory_space<semaphore_mem>>) src(%arg9 : memref<128x64xf32, #tpu.memory_space<vmem>>) dst(%dma_wait3A_86 : memref<10240x64xf32, #tpu.memory_space<vmem_shared>>)
        tpu.yield
      }) : () -> ()
      %add3A_58 = arith.constant 2 : i32
      %add3A_59 = arith.addi %mul3A_48, %add3A_58 : i32
      %lt3A = arith.constant 80 : i32
      %lt3A_60 = arith.cmpi slt, %add3A_59, %lt3A : i32
      %convert_element_type3A = arith.extui %lt3A_60 : i1 to i32
      %cond3A = arith.constant 0 : i32
      %cond3A_61 = arith.cmpi ne, %convert_element_type3A, %cond3A : i32
      scf.if %cond3A_61 {
        %add3A_75 = arith.constant 2 : i32
        %add3A_76 = arith.addi %mul3A_48, %add3A_75 : i32
        %dma_start3A_77 = arith.constant 0 : i32
        %dma_start3A_78 = tpu.memref_slice %arg7[%add3A_76, %dma_start3A_77] : memref<80x128xi32, #tpu.memory_space<vmem>> -> memref<1x128xi32, #tpu.memory_space<vmem>>
        %dma_start3A_79 = tpu.memref_squeeze %dma_start3A_78 : memref<1x128xi32, #tpu.memory_space<vmem>> -> memref<128xi32, #tpu.memory_space<vmem>>
        %dma_start3A_80 = arith.constant 0 : i32
        %dma_start3A_81 = arith.constant 0 : i32
        %dma_start3A_82 = tpu.memref_slice %arg2[%dma_start3A_80, %dma_start3A_81] : memref<10240x64xf32, #tpu.memory_space<hbm>> -> memref<10240x64xf32, #tpu.memory_space<hbm>>
        tpu.enqueue_indirect_dma source(%dma_start3A_82 : memref<10240x64xf32, #tpu.memory_space<hbm>>) target(%arg9 : memref<128x64xf32, #tpu.memory_space<vmem>>) offsets(%dma_start3A_79 : memref<128xi32, #tpu.memory_space<vmem>>) semaphore(%arg13 : memref<!tpu.dma_semaphore, #tpu.memory_space<semaphore_mem>>)
      } else {
      }
      %dma_wait3A_62 = arith.constant 0 : i32
      %dma_wait3A_63 = tpu.memref_slice %arg7[%add3A_52, %dma_wait3A_62] : memref<80x128xi32, #tpu.memory_space<vmem>> -> memref<1x128xi32, #tpu.memory_space<vmem>>
      %dma_wait3A_64 = tpu.memref_squeeze %dma_wait3A_63 : memref<1x128xi32, #tpu.memory_space<vmem>> -> memref<128xi32, #tpu.memory_space<vmem>>
      %dma_wait3A_65 = arith.constant 0 : i32
      %dma_wait3A_66 = arith.constant 0 : i32
      %dma_wait3A_67 = tpu.memref_slice %arg2[%dma_wait3A_65, %dma_wait3A_66] : memref<10240x64xf32, #tpu.memory_space<hbm>> -> memref<10240x64xf32, #tpu.memory_space<hbm>>
      tpu.wait_indirect_dma semaphore(%arg14 : memref<!tpu.dma_semaphore, #tpu.memory_space<semaphore_mem>>) src(%dma_wait3A_67 : memref<10240x64xf32, #tpu.memory_space<hbm>>) dst(%arg10 : memref<128x64xf32, #tpu.memory_space<vmem>>)
      "tpu.region"() ({
        %run_scoped3A = tpu.sem_alloc : memref<!tpu.dma_semaphore, #tpu.memory_space<semaphore_mem>>
        %dma_start3A_75 = arith.constant 0 : i32
        %dma_start3A_76 = tpu.memref_slice %arg8[%add3A_52, %dma_start3A_75] : memref<80x128xi32, #tpu.memory_space<vmem>> -> memref<1x128xi32, #tpu.memory_space<vmem>>
        %dma_start3A_77 = tpu.memref_squeeze %dma_start3A_76 : memref<1x128xi32, #tpu.memory_space<vmem>> -> memref<128xi32, #tpu.memory_space<vmem>>
        %dma_start3A_78 = arith.constant 0 : i32
        %dma_start3A_79 = arith.constant 0 : i32
        %dma_start3A_80 = tpu.memref_slice %arg12[%dma_start3A_78, %dma_start3A_79] : memref<10240x64xf32, #tpu.memory_space<vmem_shared>> -> memref<10240x64xf32, #tpu.memory_space<vmem_shared>>
        tpu.enqueue_indirect_dma source(%arg10 : memref<128x64xf32, #tpu.memory_space<vmem>>) target(%dma_start3A_80 : memref<10240x64xf32, #tpu.memory_space<vmem_shared>>) offsets(%dma_start3A_77 : memref<128xi32, #tpu.memory_space<vmem>>) semaphore(%run_scoped3A : memref<!tpu.dma_semaphore, #tpu.memory_space<semaphore_mem>>) {add = true}
        %dma_wait3A_81 = arith.constant 0 : i32
        %dma_wait3A_82 = tpu.memref_slice %arg8[%add3A_52, %dma_wait3A_81] : memref<80x128xi32, #tpu.memory_space<vmem>> -> memref<1x128xi32, #tpu.memory_space<vmem>>
        %dma_wait3A_83 = tpu.memref_squeeze %dma_wait3A_82 : memref<1x128xi32, #tpu.memory_space<vmem>> -> memref<128xi32, #tpu.memory_space<vmem>>
        %dma_wait3A_84 = arith.constant 0 : i32
        %dma_wait3A_85 = arith.constant 0 : i32
        %dma_wait3A_86 = tpu.memref_slice %arg12[%dma_wait3A_84, %dma_wait3A_85] : memref<10240x64xf32, #tpu.memory_space<vmem_shared>> -> memref<10240x64xf32, #tpu.memory_space<vmem_shared>>
        tpu.wait_indirect_dma semaphore(%run_scoped3A : memref<!tpu.dma_semaphore, #tpu.memory_space<semaphore_mem>>) src(%arg10 : memref<128x64xf32, #tpu.memory_space<vmem>>) dst(%dma_wait3A_86 : memref<10240x64xf32, #tpu.memory_space<vmem_shared>>)
        tpu.yield
      }) : () -> ()
      %add3A_68 = arith.constant 2 : i32
      %add3A_69 = arith.addi %add3A_52, %add3A_68 : i32
      %lt3A_70 = arith.constant 80 : i32
      %lt3A_71 = arith.cmpi slt, %add3A_69, %lt3A_70 : i32
      %convert_element_type3A_72 = arith.extui %lt3A_71 : i1 to i32
      %cond3A_73 = arith.constant 0 : i32
      %cond3A_74 = arith.cmpi ne, %convert_element_type3A_72, %cond3A_73 : i32
      scf.if %cond3A_74 {
        %add3A_75 = arith.constant 2 : i32
        %add3A_76 = arith.addi %add3A_52, %add3A_75 : i32
        %dma_start3A_77 = arith.constant 0 : i32
        %dma_start3A_78 = tpu.memref_slice %arg7[%add3A_76, %dma_start3A_77] : memref<80x128xi32, #tpu.memory_space<vmem>> -> memref<1x128xi32, #tpu.memory_space<vmem>>
        %dma_start3A_79 = tpu.memref_squeeze %dma_start3A_78 : memref<1x128xi32, #tpu.memory_space<vmem>> -> memref<128xi32, #tpu.memory_space<vmem>>
        %dma_start3A_80 = arith.constant 0 : i32
        %dma_start3A_81 = arith.constant 0 : i32
        %dma_start3A_82 = tpu.memref_slice %arg2[%dma_start3A_80, %dma_start3A_81] : memref<10240x64xf32, #tpu.memory_space<hbm>> -> memref<10240x64xf32, #tpu.memory_space<hbm>>
        tpu.enqueue_indirect_dma source(%dma_start3A_82 : memref<10240x64xf32, #tpu.memory_space<hbm>>) target(%arg10 : memref<128x64xf32, #tpu.memory_space<vmem>>) offsets(%dma_start3A_79 : memref<128xi32, #tpu.memory_space<vmem>>) semaphore(%arg14 : memref<!tpu.dma_semaphore, #tpu.memory_space<semaphore_mem>>)
      } else {
      }
    }
    %scan3A_24 = arith.constant 40 : i32
    %barrier3A_25 = arith.constant 0 : index
    tpu.barrier barrier_id(%barrier3A_25)
    %mul3A_26 = arith.constant 640 : i32
    %mul3A_27 = arith.muli %arg1, %mul3A_26 : i32
    %mul3A_28 = arith.constant 2 : i32
    %mul3A_29 = arith.muli %mul3A_28, %arg0 : i32
    %mul3A_30 = arith.constant 10240 : i32
    %mul3A_31 = arith.muli %mul3A_29, %mul3A_30 : i32
    %mul3A_32 = arith.constant 640 : i32
    %mul3A_33 = arith.muli %arg1, %mul3A_32 : i32
    %add3A_34 = arith.addi %mul3A_31, %mul3A_33 : i32
    "tpu.region"() ({
      %run_scoped3A = tpu.sem_alloc : memref<!tpu.dma_semaphore, #tpu.memory_space<semaphore_mem>>
      %dma_start3A_46 = arith.constant 0 : i32
      %dma_start3A_47 = tpu.memref_slice %arg6[%add3A_34, %dma_start3A_46] : memref<40960x64xf32, #tpu.memory_space<hbm>> -> memref<640x64xf32, #tpu.memory_space<hbm>>
      %dma_start3A_48 = arith.constant 0 : i32
      %dma_start3A_49 = tpu.memref_slice %arg11[%mul3A_27, %dma_start3A_48] : memref<10240x64xf32, #tpu.memory_space<vmem_shared>> -> memref<640x64xf32, #tpu.memory_space<vmem_shared>>
      tpu.enqueue_dma source(%dma_start3A_49 : memref<640x64xf32, #tpu.memory_space<vmem_shared>>) target(%dma_start3A_47 : memref<640x64xf32, #tpu.memory_space<hbm>>) target_semaphore(%run_scoped3A : memref<!tpu.dma_semaphore, #tpu.memory_space<semaphore_mem>>)
      %dma_wait3A = arith.constant 0 : i32
      %dma_wait3A_50 = tpu.memref_slice %arg6[%add3A_34, %dma_wait3A] : memref<40960x64xf32, #tpu.memory_space<hbm>> -> memref<640x64xf32, #tpu.memory_space<hbm>>
      %dma_wait3A_51 = arith.constant 0 : i32
      %dma_wait3A_52 = tpu.memref_slice %arg11[%mul3A_27, %dma_wait3A_51] : memref<10240x64xf32, #tpu.memory_space<vmem_shared>> -> memref<640x64xf32, #tpu.memory_space<vmem_shared>>
      tpu.wait_dma2 semaphore(%run_scoped3A : memref<!tpu.dma_semaphore, #tpu.memory_space<semaphore_mem>>) src(%dma_wait3A_52 : memref<640x64xf32, #tpu.memory_space<vmem_shared>>) dst(%dma_wait3A_50 : memref<640x64xf32, #tpu.memory_space<hbm>>)
      tpu.yield
    }) : () -> ()
    %mul3A_35 = arith.constant 640 : i32
    %mul3A_36 = arith.muli %arg1, %mul3A_35 : i32
    %mul3A_37 = arith.constant 2 : i32
    %mul3A_38 = arith.muli %mul3A_37, %arg0 : i32
    %add3A_39 = arith.constant 1 : i32
    %add3A_40 = arith.addi %mul3A_38, %add3A_39 : i32
    %mul3A_41 = arith.constant 10240 : i32
    %mul3A_42 = arith.muli %add3A_40, %mul3A_41 : i32
    %mul3A_43 = arith.constant 640 : i32
    %mul3A_44 = arith.muli %arg1, %mul3A_43 : i32
    %add3A_45 = arith.addi %mul3A_42, %mul3A_44 : i32
    "tpu.region"() ({
      %run_scoped3A = tpu.sem_alloc : memref<!tpu.dma_semaphore, #tpu.memory_space<semaphore_mem>>
      %dma_start3A_46 = arith.constant 0 : i32
      %dma_start3A_47 = tpu.memref_slice %arg6[%add3A_45, %dma_start3A_46] : memref<40960x64xf32, #tpu.memory_space<hbm>> -> memref<640x64xf32, #tpu.memory_space<hbm>>
      %dma_start3A_48 = arith.constant 0 : i32
      %dma_start3A_49 = tpu.memref_slice %arg12[%mul3A_36, %dma_start3A_48] : memref<10240x64xf32, #tpu.memory_space<vmem_shared>> -> memref<640x64xf32, #tpu.memory_space<vmem_shared>>
      tpu.enqueue_dma source(%dma_start3A_49 : memref<640x64xf32, #tpu.memory_space<vmem_shared>>) target(%dma_start3A_47 : memref<640x64xf32, #tpu.memory_space<hbm>>) target_semaphore(%run_scoped3A : memref<!tpu.dma_semaphore, #tpu.memory_space<semaphore_mem>>)
      %dma_wait3A = arith.constant 0 : i32
      %dma_wait3A_50 = tpu.memref_slice %arg6[%add3A_45, %dma_wait3A] : memref<40960x64xf32, #tpu.memory_space<hbm>> -> memref<640x64xf32, #tpu.memory_space<hbm>>
      %dma_wait3A_51 = arith.constant 0 : i32
      %dma_wait3A_52 = tpu.memref_slice %arg12[%mul3A_36, %dma_wait3A_51] : memref<10240x64xf32, #tpu.memory_space<vmem_shared>> -> memref<640x64xf32, #tpu.memory_space<vmem_shared>>
      tpu.wait_dma2 semaphore(%run_scoped3A : memref<!tpu.dma_semaphore, #tpu.memory_space<semaphore_mem>>) src(%dma_wait3A_52 : memref<640x64xf32, #tpu.memory_space<vmem_shared>>) dst(%dma_wait3A_50 : memref<640x64xf32, #tpu.memory_space<hbm>>)
      tpu.yield
    }) : () -> ()
    return
  }
}

#map = affine_map<(d0, d1) -> (0, 0)>
module attributes {stable_mosaic.version = 14 : i64} {
  func.func @edge_kernel(%arg0: i32, %arg1: i32, %arg2: memref<10240x128xf32, #tpu.memory_space<hbm>>, %arg3: memref<2560x128xi32, #tpu.memory_space<hbm>>, %arg4: memref<2560x128xi32, #tpu.memory_space<hbm>>, %arg5: memref<640x128xf32, #tpu.memory_space<hbm>>, %arg6: memref<20480x128xf32, #tpu.memory_space<hbm>>, %arg7: memref<80x128xi32, #tpu.memory_space<vmem>>, %arg8: memref<80x128xi32, #tpu.memory_space<vmem>>, %arg9: memref<128x128xf32, #tpu.memory_space<vmem>>, %arg10: memref<10240x128xf32, #tpu.memory_space<vmem_shared>>, %arg11: memref<!tpu.dma_semaphore, #tpu.memory_space<semaphore_mem>>) attributes {dimension_semantics = [#tpu.dimension_semantics<core_parallel>, #tpu.dimension_semantics<subcore_parallel>], iteration_bounds = array<i64: 2, 16>, scalar_prefetch = 0 : i64, scratch_operands = 5 : i64, tpu.core_type = #tpu.core_type<sc_vector_subcore>, window_params = [{transform_indices = #map}, {transform_indices = #map}, {transform_indices = #map}, {transform_indices = #map}, {transform_indices = #map}]} {
    %mul3A = arith.constant 640 : i32
    %mul3A_0 = arith.muli %arg1, %mul3A : i32
    "tpu.region"() ({
      %run_scoped3A = tpu.sem_alloc : memref<!tpu.dma_semaphore, #tpu.memory_space<semaphore_mem>>
      %dma_start3A = arith.constant 0 : i32
      %dma_start3A_18 = tpu.memref_slice %arg10[%mul3A_0, %dma_start3A] : memref<10240x128xf32, #tpu.memory_space<vmem_shared>> -> memref<640x128xf32, #tpu.memory_space<vmem_shared>>
      tpu.enqueue_dma source(%arg5 : memref<640x128xf32, #tpu.memory_space<hbm>>) target(%dma_start3A_18 : memref<640x128xf32, #tpu.memory_space<vmem_shared>>) target_semaphore(%run_scoped3A : memref<!tpu.dma_semaphore, #tpu.memory_space<semaphore_mem>>)
      %dma_wait3A = arith.constant 0 : i32
      %dma_wait3A_19 = tpu.memref_slice %arg10[%mul3A_0, %dma_wait3A] : memref<10240x128xf32, #tpu.memory_space<vmem_shared>> -> memref<640x128xf32, #tpu.memory_space<vmem_shared>>
      tpu.wait_dma2 semaphore(%run_scoped3A : memref<!tpu.dma_semaphore, #tpu.memory_space<semaphore_mem>>) src(%arg5 : memref<640x128xf32, #tpu.memory_space<hbm>>) dst(%dma_wait3A_19 : memref<640x128xf32, #tpu.memory_space<vmem_shared>>)
      tpu.yield
    }) : () -> ()
    %mul3A_1 = arith.constant 16 : i32
    %mul3A_2 = arith.muli %arg0, %mul3A_1 : i32
    %add3A = arith.addi %mul3A_2, %arg1 : i32
    %mul3A_3 = arith.constant 80 : i32
    %mul3A_4 = arith.muli %add3A, %mul3A_3 : i32
    "tpu.region"() ({
      %run_scoped3A = tpu.sem_alloc : memref<!tpu.dma_semaphore, #tpu.memory_space<semaphore_mem>>
      %dma_start3A = arith.constant 0 : i32
      %dma_start3A_18 = tpu.memref_slice %arg3[%mul3A_4, %dma_start3A] : memref<2560x128xi32, #tpu.memory_space<hbm>> -> memref<80x128xi32, #tpu.memory_space<hbm>>
      %dma_start3A_19 = arith.constant 0 : i32
      %dma_start3A_20 = tpu.memref_slice %arg3[%mul3A_4, %dma_start3A_19] : memref<2560x128xi32, #tpu.memory_space<hbm>> -> memref<80x128xi32, #tpu.memory_space<hbm>>
      tpu.enqueue_dma source(%dma_start3A_20 : memref<80x128xi32, #tpu.memory_space<hbm>>) target(%arg7 : memref<80x128xi32, #tpu.memory_space<vmem>>) target_semaphore(%run_scoped3A : memref<!tpu.dma_semaphore, #tpu.memory_space<semaphore_mem>>)
      %dma_wait3A = arith.constant 0 : i32
      %dma_wait3A_21 = tpu.memref_slice %arg3[%mul3A_4, %dma_wait3A] : memref<2560x128xi32, #tpu.memory_space<hbm>> -> memref<80x128xi32, #tpu.memory_space<hbm>>
      %dma_wait3A_22 = arith.constant 0 : i32
      %dma_wait3A_23 = tpu.memref_slice %arg3[%mul3A_4, %dma_wait3A_22] : memref<2560x128xi32, #tpu.memory_space<hbm>> -> memref<80x128xi32, #tpu.memory_space<hbm>>
      tpu.wait_dma2 semaphore(%run_scoped3A : memref<!tpu.dma_semaphore, #tpu.memory_space<semaphore_mem>>) src(%dma_wait3A_23 : memref<80x128xi32, #tpu.memory_space<hbm>>) dst(%arg7 : memref<80x128xi32, #tpu.memory_space<vmem>>)
      tpu.yield
    }) : () -> ()
    "tpu.region"() ({
      %run_scoped3A = tpu.sem_alloc : memref<!tpu.dma_semaphore, #tpu.memory_space<semaphore_mem>>
      %dma_start3A = arith.constant 0 : i32
      %dma_start3A_18 = tpu.memref_slice %arg4[%mul3A_4, %dma_start3A] : memref<2560x128xi32, #tpu.memory_space<hbm>> -> memref<80x128xi32, #tpu.memory_space<hbm>>
      %dma_start3A_19 = arith.constant 0 : i32
      %dma_start3A_20 = tpu.memref_slice %arg4[%mul3A_4, %dma_start3A_19] : memref<2560x128xi32, #tpu.memory_space<hbm>> -> memref<80x128xi32, #tpu.memory_space<hbm>>
      tpu.enqueue_dma source(%dma_start3A_20 : memref<80x128xi32, #tpu.memory_space<hbm>>) target(%arg8 : memref<80x128xi32, #tpu.memory_space<vmem>>) target_semaphore(%run_scoped3A : memref<!tpu.dma_semaphore, #tpu.memory_space<semaphore_mem>>)
      %dma_wait3A = arith.constant 0 : i32
      %dma_wait3A_21 = tpu.memref_slice %arg4[%mul3A_4, %dma_wait3A] : memref<2560x128xi32, #tpu.memory_space<hbm>> -> memref<80x128xi32, #tpu.memory_space<hbm>>
      %dma_wait3A_22 = arith.constant 0 : i32
      %dma_wait3A_23 = tpu.memref_slice %arg4[%mul3A_4, %dma_wait3A_22] : memref<2560x128xi32, #tpu.memory_space<hbm>> -> memref<80x128xi32, #tpu.memory_space<hbm>>
      tpu.wait_dma2 semaphore(%run_scoped3A : memref<!tpu.dma_semaphore, #tpu.memory_space<semaphore_mem>>) src(%dma_wait3A_23 : memref<80x128xi32, #tpu.memory_space<hbm>>) dst(%arg8 : memref<80x128xi32, #tpu.memory_space<vmem>>)
      tpu.yield
    }) : () -> ()
    %barrier3A = arith.constant 0 : index
    tpu.barrier barrier_id(%barrier3A)
    %scan3A = arith.constant 0 : i32
    %scan3A_5 = arith.constant 0 : i32
    %scan3A_6 = arith.constant 80 : i32
    %scan3A_7 = arith.addi %scan3A_5, %scan3A_6 : i32
    %scan3A_8 = arith.constant 1 : i32
    scf.for %scan3A_18 = %scan3A_5 to %scan3A_7 step %scan3A_8  : i32 {
      %dma_start3A = arith.constant 0 : i32
      %dma_start3A_19 = tpu.memref_slice %arg7[%scan3A_18, %dma_start3A] : memref<80x128xi32, #tpu.memory_space<vmem>> -> memref<1x128xi32, #tpu.memory_space<vmem>>
      %dma_start3A_20 = tpu.memref_squeeze %dma_start3A_19 : memref<1x128xi32, #tpu.memory_space<vmem>> -> memref<128xi32, #tpu.memory_space<vmem>>
      %dma_start3A_21 = arith.constant 0 : i32
      %dma_start3A_22 = arith.constant 0 : i32
      %dma_start3A_23 = tpu.memref_slice %arg2[%dma_start3A_21, %dma_start3A_22] : memref<10240x128xf32, #tpu.memory_space<hbm>> -> memref<10240x128xf32, #tpu.memory_space<hbm>>
      tpu.enqueue_indirect_dma source(%dma_start3A_23 : memref<10240x128xf32, #tpu.memory_space<hbm>>) target(%arg9 : memref<128x128xf32, #tpu.memory_space<vmem>>) offsets(%dma_start3A_20 : memref<128xi32, #tpu.memory_space<vmem>>) semaphore(%arg11 : memref<!tpu.dma_semaphore, #tpu.memory_space<semaphore_mem>>)
      %dma_wait3A = arith.constant 0 : i32
      %dma_wait3A_24 = tpu.memref_slice %arg7[%scan3A_18, %dma_wait3A] : memref<80x128xi32, #tpu.memory_space<vmem>> -> memref<1x128xi32, #tpu.memory_space<vmem>>
      %dma_wait3A_25 = tpu.memref_squeeze %dma_wait3A_24 : memref<1x128xi32, #tpu.memory_space<vmem>> -> memref<128xi32, #tpu.memory_space<vmem>>
      %dma_wait3A_26 = arith.constant 0 : i32
      %dma_wait3A_27 = arith.constant 0 : i32
      %dma_wait3A_28 = tpu.memref_slice %arg2[%dma_wait3A_26, %dma_wait3A_27] : memref<10240x128xf32, #tpu.memory_space<hbm>> -> memref<10240x128xf32, #tpu.memory_space<hbm>>
      tpu.wait_indirect_dma semaphore(%arg11 : memref<!tpu.dma_semaphore, #tpu.memory_space<semaphore_mem>>) src(%dma_wait3A_28 : memref<10240x128xf32, #tpu.memory_space<hbm>>) dst(%arg9 : memref<128x128xf32, #tpu.memory_space<vmem>>)
      "tpu.region"() ({
        %run_scoped3A = tpu.sem_alloc : memref<!tpu.dma_semaphore, #tpu.memory_space<semaphore_mem>>
        %dma_start3A_29 = arith.constant 0 : i32
        %dma_start3A_30 = tpu.memref_slice %arg8[%scan3A_18, %dma_start3A_29] : memref<80x128xi32, #tpu.memory_space<vmem>> -> memref<1x128xi32, #tpu.memory_space<vmem>>
        %dma_start3A_31 = tpu.memref_squeeze %dma_start3A_30 : memref<1x128xi32, #tpu.memory_space<vmem>> -> memref<128xi32, #tpu.memory_space<vmem>>
        %dma_start3A_32 = arith.constant 0 : i32
        %dma_start3A_33 = arith.constant 0 : i32
        %dma_start3A_34 = tpu.memref_slice %arg10[%dma_start3A_32, %dma_start3A_33] : memref<10240x128xf32, #tpu.memory_space<vmem_shared>> -> memref<10240x128xf32, #tpu.memory_space<vmem_shared>>
        tpu.enqueue_indirect_dma source(%arg9 : memref<128x128xf32, #tpu.memory_space<vmem>>) target(%dma_start3A_34 : memref<10240x128xf32, #tpu.memory_space<vmem_shared>>) offsets(%dma_start3A_31 : memref<128xi32, #tpu.memory_space<vmem>>) semaphore(%run_scoped3A : memref<!tpu.dma_semaphore, #tpu.memory_space<semaphore_mem>>) {add = true}
        %dma_wait3A_35 = arith.constant 0 : i32
        %dma_wait3A_36 = tpu.memref_slice %arg8[%scan3A_18, %dma_wait3A_35] : memref<80x128xi32, #tpu.memory_space<vmem>> -> memref<1x128xi32, #tpu.memory_space<vmem>>
        %dma_wait3A_37 = tpu.memref_squeeze %dma_wait3A_36 : memref<1x128xi32, #tpu.memory_space<vmem>> -> memref<128xi32, #tpu.memory_space<vmem>>
        %dma_wait3A_38 = arith.constant 0 : i32
        %dma_wait3A_39 = arith.constant 0 : i32
        %dma_wait3A_40 = tpu.memref_slice %arg10[%dma_wait3A_38, %dma_wait3A_39] : memref<10240x128xf32, #tpu.memory_space<vmem_shared>> -> memref<10240x128xf32, #tpu.memory_space<vmem_shared>>
        tpu.wait_indirect_dma semaphore(%run_scoped3A : memref<!tpu.dma_semaphore, #tpu.memory_space<semaphore_mem>>) src(%arg9 : memref<128x128xf32, #tpu.memory_space<vmem>>) dst(%dma_wait3A_40 : memref<10240x128xf32, #tpu.memory_space<vmem_shared>>)
        tpu.yield
      }) : () -> ()
    }
    %scan3A_9 = arith.constant 80 : i32
    %barrier3A_10 = arith.constant 0 : index
    tpu.barrier barrier_id(%barrier3A_10)
    %mul3A_11 = arith.constant 640 : i32
    %mul3A_12 = arith.muli %arg1, %mul3A_11 : i32
    %mul3A_13 = arith.constant 10240 : i32
    %mul3A_14 = arith.muli %arg0, %mul3A_13 : i32
    %mul3A_15 = arith.constant 640 : i32
    %mul3A_16 = arith.muli %arg1, %mul3A_15 : i32
    %add3A_17 = arith.addi %mul3A_14, %mul3A_16 : i32
    "tpu.region"() ({
      %run_scoped3A = tpu.sem_alloc : memref<!tpu.dma_semaphore, #tpu.memory_space<semaphore_mem>>
      %dma_start3A = arith.constant 0 : i32
      %dma_start3A_18 = tpu.memref_slice %arg6[%add3A_17, %dma_start3A] : memref<20480x128xf32, #tpu.memory_space<hbm>> -> memref<640x128xf32, #tpu.memory_space<hbm>>
      %dma_start3A_19 = arith.constant 0 : i32
      %dma_start3A_20 = tpu.memref_slice %arg10[%mul3A_12, %dma_start3A_19] : memref<10240x128xf32, #tpu.memory_space<vmem_shared>> -> memref<640x128xf32, #tpu.memory_space<vmem_shared>>
      tpu.enqueue_dma source(%dma_start3A_20 : memref<640x128xf32, #tpu.memory_space<vmem_shared>>) target(%dma_start3A_18 : memref<640x128xf32, #tpu.memory_space<hbm>>) target_semaphore(%run_scoped3A : memref<!tpu.dma_semaphore, #tpu.memory_space<semaphore_mem>>)
      %dma_wait3A = arith.constant 0 : i32
      %dma_wait3A_21 = tpu.memref_slice %arg6[%add3A_17, %dma_wait3A] : memref<20480x128xf32, #tpu.memory_space<hbm>> -> memref<640x128xf32, #tpu.memory_space<hbm>>
      %dma_wait3A_22 = arith.constant 0 : i32
      %dma_wait3A_23 = tpu.memref_slice %arg10[%mul3A_12, %dma_wait3A_22] : memref<10240x128xf32, #tpu.memory_space<vmem_shared>> -> memref<640x128xf32, #tpu.memory_space<vmem_shared>>
      tpu.wait_dma2 semaphore(%run_scoped3A : memref<!tpu.dma_semaphore, #tpu.memory_space<semaphore_mem>>) src(%dma_wait3A_23 : memref<640x128xf32, #tpu.memory_space<vmem_shared>>) dst(%dma_wait3A_21 : memref<640x128xf32, #tpu.memory_space<hbm>>)
      tpu.yield
    }) : () -> ()
    return
  }
}

module attributes {stable_mosaic.version = 14 : i64} {
  func.func @body(%arg0: i32, %arg1: memref<256x128xf32, #tpu.memory_space<vmem>>, %arg2: memref<128x64xf32, #tpu.memory_space<vmem>>, %arg3: memref<256x64xf32, #tpu.memory_space<vmem>>) attributes {dimension_semantics = [#tpu.dimension_semantics<arbitrary>], iteration_bounds = array<i64: 40>, scalar_prefetch = 0 : i64, scratch_operands = 0 : i64, tpu.core_type = #tpu.core_type<tc>, window_params = [{transform_indices = @transform_0, window_bounds = array<i64: 256, 128>}, {pipeline_mode = #tpu.pipeline_mode<synchronous>, transform_indices = @transform_1, window_bounds = array<i64: 128, 64>}, {transform_indices = @transform_2, window_bounds = array<i64: 256, 64>}]} {
    %get3A = arith.constant 0 : index
    %get3A_0 = arith.constant 0 : index
    %get3A_1 = vector.load %arg1[%get3A, %get3A_0] : memref<256x128xf32, #tpu.memory_space<vmem>>, vector<256x128xf32>
    %get3A_2 = arith.constant 0 : index
    %get3A_3 = arith.constant 0 : index
    %get3A_4 = vector.load %arg2[%get3A_2, %get3A_3] : memref<128x64xf32, #tpu.memory_space<vmem>>, vector<128x64xf32>
    %dot_general3A = arith.constant dense<0.000000e+00> : vector<256x64xf32>
    %dot_general3A_5 = tpu.matmul %get3A_1, %get3A_4, %dot_general3A {dimension_numbers = #tpu.dot_dimension_numbers<[1], [0], [0], [1], [0, 0, 1, 1], [], []>, transpose_lhs_hint = false} : vector<256x128xf32>, vector<128x64xf32>, vector<256x64xf32> -> vector<256x64xf32>
    %swap3A = arith.constant 0 : index
    %swap3A_6 = arith.constant 0 : index
    %swap3A_7 = vector.load %arg3[%swap3A, %swap3A_6] : memref<256x64xf32, #tpu.memory_space<vmem>>, vector<256x64xf32>
    tpu.vector_store %arg3[%swap3A, %swap3A_6], %dot_general3A_5 {strides = array<i32>} : memref<256x64xf32, #tpu.memory_space<vmem>>, vector<256x64xf32>,
    return
  }
  func.func @transform_0(%arg0: i32) -> (i32, i32) {
    %c0_i32 = arith.constant 0 : i32
    %c0_i32_0 = arith.constant 0 : i32
    return %arg0, %c0_i32 : i32, i32
  }
  func.func @transform_1(%arg0: i32) -> (i32, i32) {
    %c0_i32 = arith.constant 0 : i32
    %c0_i32_0 = arith.constant 0 : i32
    %c0_i32_1 = arith.constant 0 : i32
    return %c0_i32, %c0_i32_0 : i32, i32
  }
  func.func @transform_2(%arg0: i32) -> (i32, i32) {
    %c0_i32 = arith.constant 0 : i32
    %c0_i32_0 = arith.constant 0 : i32
    return %arg0, %c0_i32 : i32, i32
  }
}

module attributes {stable_mosaic.version = 14 : i64} {
  func.func @body(%arg0: i32, %arg1: memref<4x256x64xf32, #tpu.memory_space<vmem>>, %arg2: memref<1x64xf32, #tpu.memory_space<vmem>>, %arg3: memref<64x128xf32, #tpu.memory_space<vmem>>, %arg4: memref<256x128xf32, #tpu.memory_space<vmem>>) attributes {dimension_semantics = [#tpu.dimension_semantics<arbitrary>], iteration_bounds = array<i64: 40>, scalar_prefetch = 0 : i64, scratch_operands = 0 : i64, tpu.core_type = #tpu.core_type<tc>, window_params = [{transform_indices = @transform_0, window_bounds = array<i64: 4, 256, 64>}, {pipeline_mode = #tpu.pipeline_mode<synchronous>, transform_indices = @transform_1, window_bounds = array<i64: 1, 64>}, {pipeline_mode = #tpu.pipeline_mode<synchronous>, transform_indices = @transform_2, window_bounds = array<i64: 64, 128>}, {transform_indices = @transform_3, window_bounds = array<i64: 256, 128>}]} {
    %get3A = arith.constant 0 : index
    %get3A_0 = arith.constant 0 : index
    %get3A_1 = arith.constant 0 : index
    %get3A_2 = vector.load %arg1[%get3A, %get3A_0, %get3A_1] : memref<4x256x64xf32, #tpu.memory_space<vmem>>, vector<1x256x64xf32>
    %get3A_3 = vector.shape_cast %get3A_2 : vector<1x256x64xf32> to vector<256x64xf32>
    %get3A_4 = arith.constant 1 : index
    %get3A_5 = arith.constant 0 : index
    %get3A_6 = arith.constant 0 : index
    %get3A_7 = vector.load %arg1[%get3A_4, %get3A_5, %get3A_6] : memref<4x256x64xf32, #tpu.memory_space<vmem>>, vector<1x256x64xf32>
    %get3A_8 = vector.shape_cast %get3A_7 : vector<1x256x64xf32> to vector<256x64xf32>
    %add3A = arith.addf %get3A_3, %get3A_8 : vector<256x64xf32>
    %get3A_9 = arith.constant 2 : index
    %get3A_10 = arith.constant 0 : index
    %get3A_11 = arith.constant 0 : index
    %get3A_12 = vector.load %arg1[%get3A_9, %get3A_10, %get3A_11] : memref<4x256x64xf32, #tpu.memory_space<vmem>>, vector<1x256x64xf32>
    %get3A_13 = vector.shape_cast %get3A_12 : vector<1x256x64xf32> to vector<256x64xf32>
    %add3A_14 = arith.addf %add3A, %get3A_13 : vector<256x64xf32>
    %get3A_15 = arith.constant 3 : index
    %get3A_16 = arith.constant 0 : index
    %get3A_17 = arith.constant 0 : index
    %get3A_18 = vector.load %arg1[%get3A_15, %get3A_16, %get3A_17] : memref<4x256x64xf32, #tpu.memory_space<vmem>>, vector<1x256x64xf32>
    %get3A_19 = vector.shape_cast %get3A_18 : vector<1x256x64xf32> to vector<256x64xf32>
    %add3A_20 = arith.addf %add3A_14, %get3A_19 : vector<256x64xf32>
    %get3A_21 = arith.constant 0 : index
    %get3A_22 = arith.constant 0 : index
    %get3A_23 = vector.load %arg2[%get3A_21, %get3A_22] : memref<1x64xf32, #tpu.memory_space<vmem>>, vector<1x64xf32>
    %add3A_24 = vector.broadcast %get3A_23 : vector<1x64xf32> to vector<256x64xf32>
    %add3A_25 = arith.addf %add3A_20, %add3A_24 : vector<256x64xf32>
    %max3A = arith.constant 0.000000e+00 : f32
    %max3A_26 = vector.broadcast %max3A : f32 to vector<256x64xf32>
    %max3A_27 = arith.maximumf %add3A_25, %max3A_26 : vector<256x64xf32>
    %get3A_28 = arith.constant 0 : index
    %get3A_29 = arith.constant 0 : index
    %get3A_30 = vector.load %arg3[%get3A_28, %get3A_29] : memref<64x128xf32, #tpu.memory_space<vmem>>, vector<64x128xf32>
    %dot_general3A = arith.constant dense<0.000000e+00> : vector<256x128xf32>
    %dot_general3A_31 = tpu.matmul %max3A_27, %get3A_30, %dot_general3A {dimension_numbers = #tpu.dot_dimension_numbers<[1], [0], [0], [1], [0, 0, 1, 1], [], []>, transpose_lhs_hint = false} : vector<256x64xf32>, vector<64x128xf32>, vector<256x128xf32> -> vector<256x128xf32>
    %swap3A = arith.constant 0 : index
    %swap3A_32 = arith.constant 0 : index
    %swap3A_33 = vector.load %arg4[%swap3A, %swap3A_32] : memref<256x128xf32, #tpu.memory_space<vmem>>, vector<256x128xf32>
    tpu.vector_store %arg4[%swap3A, %swap3A_32], %dot_general3A_31 {strides = array<i32>} : memref<256x128xf32, #tpu.memory_space<vmem>>, vector<256x128xf32>,
    return
  }
  func.func @transform_0(%arg0: i32) -> (i32, i32, i32) {
    %c0_i32 = arith.constant 0 : i32
    %c0_i32_0 = arith.constant 0 : i32
    %c0_i32_1 = arith.constant 0 : i32
    return %c0_i32, %arg0, %c0_i32_0 : i32, i32, i32
  }
  func.func @transform_1(%arg0: i32) -> (i32, i32) {
    %c0_i32 = arith.constant 0 : i32
    %c0_i32_0 = arith.constant 0 : i32
    %c0_i32_1 = arith.constant 0 : i32
    return %c0_i32, %c0_i32_0 : i32, i32
  }
  func.func @transform_2(%arg0: i32) -> (i32, i32) {
    %c0_i32 = arith.constant 0 : i32
    %c0_i32_0 = arith.constant 0 : i32
    %c0_i32_1 = arith.constant 0 : i32
    return %c0_i32, %c0_i32_0 : i32, i32
  }
  func.func @transform_3(%arg0: i32) -> (i32, i32) {
    %c0_i32 = arith.constant 0 : i32
    %c0_i32_0 = arith.constant 0 : i32
    return %arg0, %c0_i32 : i32, i32
  }
}

module attributes {stable_mosaic.version = 14 : i64} {
  func.func @body(%arg0: i32, %arg1: memref<256x128xf32, #tpu.memory_space<vmem>>, %arg2: memref<2x256x128xf32, #tpu.memory_space<vmem>>, %arg3: memref<1x128xf32, #tpu.memory_space<vmem>>, %arg4: memref<1x1x256xi32, #tpu.memory_space<vmem>>, %arg5: memref<256x1xi32, #tpu.memory_space<vmem>>, %arg6: memref<64x128xf32, #tpu.memory_space<vmem>>, %arg7: memref<64x128xf32, #tpu.memory_space<vmem>>, %arg8: memref<64x128xf32, #tpu.memory_space<vmem>>, %arg9: memref<64x128xf32, #tpu.memory_space<vmem>>, %arg10: memref<64x128xf32, #tpu.memory_space<vmem>>, %arg11: memref<64x128xf32, #tpu.memory_space<vmem>>, %arg12: memref<64x128xf32, #tpu.memory_space<vmem>>, %arg13: memref<64x128xf32, #tpu.memory_space<vmem>>, %arg14: memref<64x128xf32, #tpu.memory_space<vmem>>, %arg15: memref<64x128xf32, #tpu.memory_space<vmem>>, %arg16: memref<64x128xf32, #tpu.memory_space<vmem>>, %arg17: memref<64x128xf32, #tpu.memory_space<vmem>>, %arg18: memref<64x128xf32, #tpu.memory_space<vmem>>, %arg19: memref<64x128xf32, #tpu.memory_space<vmem>>) attributes {dimension_semantics = [#tpu.dimension_semantics<arbitrary>], iteration_bounds = array<i64: 40>, scalar_prefetch = 0 : i64, scratch_operands = 7 : i64, tpu.core_type = #tpu.core_type<tc>, window_params = [{transform_indices = @transform_0, window_bounds = array<i64: 256, 128>}, {transform_indices = @transform_1, window_bounds = array<i64: 2, 256, 128>}, {pipeline_mode = #tpu.pipeline_mode<synchronous>, transform_indices = @transform_2, window_bounds = array<i64: 1, 128>}, {transform_indices = @transform_3, window_bounds = array<i64: 1, 1, 256>}, {transform_indices = @transform_4, window_bounds = array<i64: 256, 1>}, {pipeline_mode = #tpu.pipeline_mode<synchronous>, transform_indices = @transform_5, window_bounds = array<i64: 64, 128>}, {pipeline_mode = #tpu.pipeline_mode<synchronous>, transform_indices = @transform_6, window_bounds = array<i64: 64, 128>}, {pipeline_mode = #tpu.pipeline_mode<synchronous>, transform_indices = @transform_7, window_bounds = array<i64: 64, 128>}, {pipeline_mode = #tpu.pipeline_mode<synchronous>, transform_indices = @transform_8, window_bounds = array<i64: 64, 128>}, {pipeline_mode = #tpu.pipeline_mode<synchronous>, transform_indices = @transform_9, window_bounds = array<i64: 64, 128>}, {pipeline_mode = #tpu.pipeline_mode<synchronous>, transform_indices = @transform_10, window_bounds = array<i64: 64, 128>}, {pipeline_mode = #tpu.pipeline_mode<synchronous>, transform_indices = @transform_11, window_bounds = array<i64: 64, 128>}]} {
    %eq3A = arith.constant 0 : i32
    %eq3A_0 = arith.cmpi eq, %arg0, %eq3A : i32
    %convert_element_type3A = arith.extui %eq3A_0 : i1 to i32
    %cond3A = arith.constant 0 : i32
    %cond3A_1 = arith.cmpi ne, %convert_element_type3A, %cond3A : i32
    scf.if %cond3A_1 {
      %broadcast_in_dim3A_86 = arith.constant 0.000000e+00 : f32
      %broadcast_in_dim3A_87 = vector.broadcast %broadcast_in_dim3A_86 : f32 to vector<64x128xf32>
      %swap3A_88 = arith.constant 0 : index
      %swap3A_89 = arith.constant 0 : index
      %swap3A_90 = vector.load %arg13[%swap3A_88, %swap3A_89] : memref<64x128xf32, #tpu.memory_space<vmem>>, vector<64x128xf32>
      tpu.vector_store %arg13[%swap3A_88, %swap3A_89], %broadcast_in_dim3A_87 {strides = array<i32>} : memref<64x128xf32, #tpu.memory_space<vmem>>, vector<64x128xf32>,
      %broadcast_in_dim3A_91 = arith.constant 0.000000e+00 : f32
      %broadcast_in_dim3A_92 = vector.broadcast %broadcast_in_dim3A_91 : f32 to vector<64x128xf32>
      %swap3A_93 = arith.constant 0 : index
      %swap3A_94 = arith.constant 0 : index
      %swap3A_95 = vector.load %arg15[%swap3A_93, %swap3A_94] : memref<64x128xf32, #tpu.memory_space<vmem>>, vector<64x128xf32>
      tpu.vector_store %arg15[%swap3A_93, %swap3A_94], %broadcast_in_dim3A_92 {strides = array<i32>} : memref<64x128xf32, #tpu.memory_space<vmem>>, vector<64x128xf32>,
      %broadcast_in_dim3A_96 = arith.constant 0.000000e+00 : f32
      %broadcast_in_dim3A_97 = vector.broadcast %broadcast_in_dim3A_96 : f32 to vector<64x128xf32>
      %swap3A_98 = arith.constant 0 : index
      %swap3A_99 = arith.constant 0 : index
      %swap3A_100 = vector.load %arg16[%swap3A_98, %swap3A_99] : memref<64x128xf32, #tpu.memory_space<vmem>>, vector<64x128xf32>
      tpu.vector_store %arg16[%swap3A_98, %swap3A_99], %broadcast_in_dim3A_97 {strides = array<i32>} : memref<64x128xf32, #tpu.memory_space<vmem>>, vector<64x128xf32>,
      %broadcast_in_dim3A_101 = arith.constant 0.000000e+00 : f32
      %broadcast_in_dim3A_102 = vector.broadcast %broadcast_in_dim3A_101 : f32 to vector<64x128xf32>
      %swap3A_103 = arith.constant 0 : index
      %swap3A_104 = arith.constant 0 : index
      %swap3A_105 = vector.load %arg19[%swap3A_103, %swap3A_104] : memref<64x128xf32, #tpu.memory_space<vmem>>, vector<64x128xf32>
      tpu.vector_store %arg19[%swap3A_103, %swap3A_104], %broadcast_in_dim3A_102 {strides = array<i32>} : memref<64x128xf32, #tpu.memory_space<vmem>>, vector<64x128xf32>,
      %broadcast_in_dim3A_106 = arith.constant 0xFF800000 : f32
      %broadcast_in_dim3A_107 = vector.broadcast %broadcast_in_dim3A_106 : f32 to vector<64x128xf32>
      %swap3A_108 = arith.constant 0 : index
      %swap3A_109 = arith.constant 0 : index
      %swap3A_110 = vector.load %arg14[%swap3A_108, %swap3A_109] : memref<64x128xf32, #tpu.memory_space<vmem>>, vector<64x128xf32>
      tpu.vector_store %arg14[%swap3A_108, %swap3A_109], %broadcast_in_dim3A_107 {strides = array<i32>} : memref<64x128xf32, #tpu.memory_space<vmem>>, vector<64x128xf32>,
      %broadcast_in_dim3A_111 = arith.constant 0xFF800000 : f32
      %broadcast_in_dim3A_112 = vector.broadcast %broadcast_in_dim3A_111 : f32 to vector<64x128xf32>
      %swap3A_113 = arith.constant 0 : index
      %swap3A_114 = arith.constant 0 : index
      %swap3A_115 = vector.load %arg17[%swap3A_113, %swap3A_114] : memref<64x128xf32, #tpu.memory_space<vmem>>, vector<64x128xf32>
      tpu.vector_store %arg17[%swap3A_113, %swap3A_114], %broadcast_in_dim3A_112 {strides = array<i32>} : memref<64x128xf32, #tpu.memory_space<vmem>>, vector<64x128xf32>,
      %broadcast_in_dim3A_116 = arith.constant 0x7F800000 : f32
      %broadcast_in_dim3A_117 = vector.broadcast %broadcast_in_dim3A_116 : f32 to vector<64x128xf32>
      %swap3A_118 = arith.constant 0 : index
      %swap3A_119 = arith.constant 0 : index
      %swap3A_120 = vector.load %arg18[%swap3A_118, %swap3A_119] : memref<64x128xf32, #tpu.memory_space<vmem>>, vector<64x128xf32>
      tpu.vector_store %arg18[%swap3A_118, %swap3A_119], %broadcast_in_dim3A_117 {strides = array<i32>} : memref<64x128xf32, #tpu.memory_space<vmem>>, vector<64x128xf32>,
    } else {
    }
    %get3A = arith.constant 0 : index
    %get3A_2 = arith.constant 0 : index
    %get3A_3 = arith.constant 0 : index
    %get3A_4 = vector.load %arg4[%get3A, %get3A_2, %get3A_3] : memref<1x1x256xi32, #tpu.memory_space<vmem>>, vector<1x1x256xi32>
    %get3A_5 = vector.shape_cast %get3A_4 : vector<1x1x256xi32> to vector<256xi32>
    %get3A_6 = arith.constant 0 : index
    %get3A_7 = arith.constant 0 : index
    %get3A_8 = vector.load %arg1[%get3A_6, %get3A_7] : memref<256x128xf32, #tpu.memory_space<vmem>>, vector<256x128xf32>
    %get3A_9 = arith.constant 0 : index
    %get3A_10 = arith.constant 0 : index
    %get3A_11 = arith.constant 0 : index
    %get3A_12 = vector.load %arg2[%get3A_9, %get3A_10, %get3A_11] : memref<2x256x128xf32, #tpu.memory_space<vmem>>, vector<1x256x128xf32>
    %get3A_13 = vector.shape_cast %get3A_12 : vector<1x256x128xf32> to vector<256x128xf32>
    %get3A_14 = arith.constant 1 : index
    %get3A_15 = arith.constant 0 : index
    %get3A_16 = arith.constant 0 : index
    %get3A_17 = vector.load %arg2[%get3A_14, %get3A_15, %get3A_16] : memref<2x256x128xf32, #tpu.memory_space<vmem>>, vector<1x256x128xf32>
    %get3A_18 = vector.shape_cast %get3A_17 : vector<1x256x128xf32> to vector<256x128xf32>
    %add3A = arith.addf %get3A_13, %get3A_18 : vector<256x128xf32>
    %get3A_19 = arith.constant 0 : index
    %get3A_20 = arith.constant 0 : index
    %get3A_21 = vector.load %arg3[%get3A_19, %get3A_20] : memref<1x128xf32, #tpu.memory_space<vmem>>, vector<1x128xf32>
    %add3A_22 = vector.broadcast %get3A_21 : vector<1x128xf32> to vector<256x128xf32>
    %add3A_23 = arith.addf %add3A, %add3A_22 : vector<256x128xf32>
    %max3A = arith.constant 0.000000e+00 : f32
    %max3A_24 = vector.broadcast %max3A : f32 to vector<256x128xf32>
    %max3A_25 = arith.maximumf %add3A_23, %max3A_24 : vector<256x128xf32>
    %broadcast_in_dim3A = vector.shape_cast %get3A_5 : vector<256xi32> to vector<1x256xi32>
    %iota3A = tpu.iota {dimensions = array<i32: 0>} : vector<64x256xi32>
    %eq3A_26 = vector.broadcast %broadcast_in_dim3A : vector<1x256xi32> to vector<64x256xi32>
    %eq3A_27 = arith.cmpi eq, %eq3A_26, %iota3A : vector<64x256xi32>
    %convert_element_type3A_28 = arith.extui %eq3A_27 : vector<64x256xi1> to vector<64x256xi32>
    %convert_element_type3A_29 = arith.sitofp %convert_element_type3A_28 : vector<64x256xi32> to vector<64x256xf32>
    %get3A_30 = arith.constant 0 : index
    %get3A_31 = arith.constant 0 : index
    %get3A_32 = vector.load %arg13[%get3A_30, %get3A_31] : memref<64x128xf32, #tpu.memory_space<vmem>>, vector<64x128xf32>
    %dot_general3A = arith.constant dense<0.000000e+00> : vector<64x128xf32>
    %dot_general3A_33 = tpu.matmul %convert_element_type3A_29, %max3A_25, %dot_general3A {dimension_numbers = #tpu.dot_dimension_numbers<[1], [0], [0], [1], [0, 0, 1, 1], [], []>, transpose_lhs_hint = false} : vector<64x256xf32>, vector<256x128xf32>, vector<64x128xf32> -> vector<64x128xf32>
    %add3A_34 = arith.addf %get3A_32, %dot_general3A_33 : vector<64x128xf32>
    %swap3A = arith.constant 0 : index
    %swap3A_35 = arith.constant 0 : index
    %swap3A_36 = vector.load %arg13[%swap3A, %swap3A_35] : memref<64x128xf32, #tpu.memory_space<vmem>>, vector<64x128xf32>
    tpu.vector_store %arg13[%swap3A, %swap3A_35], %add3A_34 {strides = array<i32>} : memref<64x128xf32, #tpu.memory_space<vmem>>, vector<64x128xf32>,
    %get3A_37 = arith.constant 0 : index
    %get3A_38 = arith.constant 0 : index
    %get3A_39 = vector.load %arg15[%get3A_37, %get3A_38] : memref<64x128xf32, #tpu.memory_space<vmem>>, vector<64x128xf32>
    %dot_general3A_40 = arith.constant dense<0.000000e+00> : vector<64x128xf32>
    %dot_general3A_41 = tpu.matmul %convert_element_type3A_29, %get3A_8, %dot_general3A_40 {dimension_numbers = #tpu.dot_dimension_numbers<[1], [0], [0], [1], [0, 0, 1, 1], [], []>, transpose_lhs_hint = false} : vector<64x256xf32>, vector<256x128xf32>, vector<64x128xf32> -> vector<64x128xf32>
    %add3A_42 = arith.addf %get3A_39, %dot_general3A_41 : vector<64x128xf32>
    %swap3A_43 = arith.constant 0 : index
    %swap3A_44 = arith.constant 0 : index
    %swap3A_45 = vector.load %arg15[%swap3A_43, %swap3A_44] : memref<64x128xf32, #tpu.memory_space<vmem>>, vector<64x128xf32>
    tpu.vector_store %arg15[%swap3A_43, %swap3A_44], %add3A_42 {strides = array<i32>} : memref<64x128xf32, #tpu.memory_space<vmem>>, vector<64x128xf32>,
    %get3A_46 = arith.constant 0 : index
    %get3A_47 = arith.constant 0 : index
    %get3A_48 = vector.load %arg16[%get3A_46, %get3A_47] : memref<64x128xf32, #tpu.memory_space<vmem>>, vector<64x128xf32>
    %mul3A = arith.mulf %get3A_8, %get3A_8 : vector<256x128xf32>
    %dot_general3A_49 = arith.constant dense<0.000000e+00> : vector<64x128xf32>
    %dot_general3A_50 = tpu.matmul %convert_element_type3A_29, %mul3A, %dot_general3A_49 {dimension_numbers = #tpu.dot_dimension_numbers<[1], [0], [0], [1], [0, 0, 1, 1], [], []>, transpose_lhs_hint = false} : vector<64x256xf32>, vector<256x128xf32>, vector<64x128xf32> -> vector<64x128xf32>
    %add3A_51 = arith.addf %get3A_48, %dot_general3A_50 : vector<64x128xf32>
    %swap3A_52 = arith.constant 0 : index
    %swap3A_53 = arith.constant 0 : index
    %swap3A_54 = vector.load %arg16[%swap3A_52, %swap3A_53] : memref<64x128xf32, #tpu.memory_space<vmem>>, vector<64x128xf32>
    tpu.vector_store %arg16[%swap3A_52, %swap3A_53], %add3A_51 {strides = array<i32>} : memref<64x128xf32, #tpu.memory_space<vmem>>, vector<64x128xf32>,
    %get3A_55 = arith.constant 0 : index
    %get3A_56 = arith.constant 0 : index
    %get3A_57 = vector.load %arg19[%get3A_55, %get3A_56] : memref<64x128xf32, #tpu.memory_space<vmem>>, vector<64x128xf32>
    %reduce_sum3A = arith.constant dense<0.000000e+00> : vector<64xf32>
    %reduce_sum3A_58 = vector.multi_reduction <add>, %convert_element_type3A_29, %reduce_sum3A [1] : vector<64x256xf32> to vector<64xf32>
    %broadcast_in_dim3A_59 = vector.shape_cast %reduce_sum3A_58 : vector<64xf32> to vector<64x1xf32>
    %add3A_60 = vector.broadcast %broadcast_in_dim3A_59 : vector<64x1xf32> to vector<64x128xf32>
    %add3A_61 = arith.addf %get3A_57, %add3A_60 : vector<64x128xf32>
    %swap3A_62 = arith.constant 0 : index
    %swap3A_63 = arith.constant 0 : index
    %swap3A_64 = vector.load %arg19[%swap3A_62, %swap3A_63] : memref<64x128xf32, #tpu.memory_space<vmem>>, vector<64x128xf32>
    tpu.vector_store %arg19[%swap3A_62, %swap3A_63], %add3A_61 {strides = array<i32>} : memref<64x128xf32, #tpu.memory_space<vmem>>, vector<64x128xf32>,
    %slice3A = vector.extract_strided_slice %get3A_5 {offsets = [0], sizes = [1], strides = [1]} : vector<256xi32> to vector<1xi32>
    %squeeze3A = vector.extract %slice3A[0] : i32 from vector<1xi32>
    %slice3A_65 = vector.extract_strided_slice %get3A_5 {offsets = [255], sizes = [1], strides = [1]} : vector<256xi32> to vector<1xi32>
    %squeeze3A_66 = vector.extract %slice3A_65[0] : i32 from vector<1xi32>
    %min3A = arith.constant 63 : i32
    %min3A_67 = arith.minsi %squeeze3A_66, %min3A : i32
    %get3A_68 = arith.constant 0 : index
    %get3A_69 = arith.constant 0 : index
    %get3A_70 = vector.load %arg5[%get3A_68, %get3A_69] : memref<256x1xi32, #tpu.memory_space<vmem>>, vector<256x1xi32>
    %add3A_71 = arith.constant 1 : i32
    %add3A_72 = arith.addi %min3A_67, %add3A_71 : i32
    %while3A = arith.constant 0 : i32
    %while3A_73 = arith.subi %add3A_72, %squeeze3A : i32
    %while3A_74 = arith.addi %squeeze3A, %while3A_73 : i32
    %while3A_75 = arith.constant 1 : i32
    %while3A_76 = arith.divsi %while3A_73, %while3A_75 : i32
    %while3A_77 = arith.muli %while3A_76, %while3A_75 : i32
    %while3A_78 = arith.addi %squeeze3A, %while3A_77 : i32
    %while3A_79 = arith.constant 1 : i32
    scf.for %while3A_86 = %squeeze3A to %while3A_78 step %while3A_79  : i32 {
      %eq3A_87 = vector.broadcast %while3A_86 : i32 to vector<256x1xi32>
      %eq3A_88 = arith.cmpi eq, %get3A_70, %eq3A_87 : vector<256x1xi32>
      %jit3A = arith.constant 0xFF800000 : f32
      %broadcast_in_dim3A_89 = vector.shape_cast %eq3A_88 : vector<256x1xi1> to vector<256x1xi1>
      %broadcast_in_dim3A_90 = vector.broadcast %broadcast_in_dim3A_89 : vector<256x1xi1> to vector<256x128xi1>
      %broadcast_in_dim3A_91 = vector.broadcast %jit3A : f32 to vector<256x128xf32>
      %select_n3A = arith.select %broadcast_in_dim3A_90, %max3A_25, %broadcast_in_dim3A_91 : vector<256x128xi1>, vector<256x128xf32>
      %reduce_max3A = arith.constant dense<0xFF800000> : vector<128xf32>
      %reduce_max3A_92 = vector.multi_reduction <maximumf>, %select_n3A, %reduce_max3A [0] : vector<256x128xf32> to vector<128xf32>
      %broadcast_in_dim3A_93 = vector.shape_cast %reduce_max3A_92 : vector<128xf32> to vector<1x128xf32>
      %jit3A_94 = arith.constant 0xFF800000 : f32
      %broadcast_in_dim3A_95 = vector.shape_cast %eq3A_88 : vector<256x1xi1> to vector<256x1xi1>
      %broadcast_in_dim3A_96 = vector.broadcast %broadcast_in_dim3A_95 : vector<256x1xi1> to vector<256x128xi1>
      %broadcast_in_dim3A_97 = vector.broadcast %jit3A_94 : f32 to vector<256x128xf32>
      %select_n3A_98 = arith.select %broadcast_in_dim3A_96, %get3A_8, %broadcast_in_dim3A_97 : vector<256x128xi1>, vector<256x128xf32>
      %reduce_max3A_99 = arith.constant dense<0xFF800000> : vector<128xf32>
      %reduce_max3A_100 = vector.multi_reduction <maximumf>, %select_n3A_98, %reduce_max3A_99 [0] : vector<256x128xf32> to vector<128xf32>
      %broadcast_in_dim3A_101 = vector.shape_cast %reduce_max3A_100 : vector<128xf32> to vector<1x128xf32>
      %jit3A_102 = arith.constant 0x7F800000 : f32
      %broadcast_in_dim3A_103 = vector.shape_cast %eq3A_88 : vector<256x1xi1> to vector<256x1xi1>
      %broadcast_in_dim3A_104 = vector.broadcast %broadcast_in_dim3A_103 : vector<256x1xi1> to vector<256x128xi1>
      %broadcast_in_dim3A_105 = vector.broadcast %jit3A_102 : f32 to vector<256x128xf32>
      %select_n3A_106 = arith.select %broadcast_in_dim3A_104, %get3A_8, %broadcast_in_dim3A_105 : vector<256x128xi1>, vector<256x128xf32>
      %reduce_min3A = arith.constant dense<0x7F800000> : vector<128xf32>
      %reduce_min3A_107 = vector.multi_reduction <minimumf>, %select_n3A_106, %reduce_min3A [0] : vector<256x128xf32> to vector<128xf32>
      %broadcast_in_dim3A_108 = vector.shape_cast %reduce_min3A_107 : vector<128xf32> to vector<1x128xf32>
      %get3A_109 = arith.index_cast %while3A_86 : i32 to index
      %get3A_110 = arith.constant 0 : index
      %get3A_111 = vector.load %arg14[%get3A_109, %get3A_110] : memref<64x128xf32, #tpu.memory_space<vmem>>, vector<1x128xf32>
      %max3A_112 = arith.maximumf %get3A_111, %broadcast_in_dim3A_93 : vector<1x128xf32>
      %swap3A_113 = arith.index_cast %while3A_86 : i32 to index
      %swap3A_114 = arith.constant 0 : index
      %swap3A_115 = vector.load %arg14[%swap3A_113, %swap3A_114] : memref<64x128xf32, #tpu.memory_space<vmem>>, vector<1x128xf32>
      tpu.vector_store %arg14[%swap3A_113, %swap3A_114], %max3A_112 {strides = array<i32>} : memref<64x128xf32, #tpu.memory_space<vmem>>, vector<1x128xf32>,
      %get3A_116 = arith.index_cast %while3A_86 : i32 to index
      %get3A_117 = arith.constant 0 : index
      %get3A_118 = vector.load %arg17[%get3A_116, %get3A_117] : memref<64x128xf32, #tpu.memory_space<vmem>>, vector<1x128xf32>
      %max3A_119 = arith.maximumf %get3A_118, %broadcast_in_dim3A_101 : vector<1x128xf32>
      %swap3A_120 = arith.index_cast %while3A_86 : i32 to index
      %swap3A_121 = arith.constant 0 : index
      %swap3A_122 = vector.load %arg17[%swap3A_120, %swap3A_121] : memref<64x128xf32, #tpu.memory_space<vmem>>, vector<1x128xf32>
      tpu.vector_store %arg17[%swap3A_120, %swap3A_121], %max3A_119 {strides = array<i32>} : memref<64x128xf32, #tpu.memory_space<vmem>>, vector<1x128xf32>,
      %get3A_123 = arith.index_cast %while3A_86 : i32 to index
      %get3A_124 = arith.constant 0 : index
      %get3A_125 = vector.load %arg18[%get3A_123, %get3A_124] : memref<64x128xf32, #tpu.memory_space<vmem>>, vector<1x128xf32>
      %min3A_126 = arith.minimumf %get3A_125, %broadcast_in_dim3A_108 : vector<1x128xf32>
      %swap3A_127 = arith.index_cast %while3A_86 : i32 to index
      %swap3A_128 = arith.constant 0 : index
      %swap3A_129 = vector.load %arg18[%swap3A_127, %swap3A_128] : memref<64x128xf32, #tpu.memory_space<vmem>>, vector<1x128xf32>
      tpu.vector_store %arg18[%swap3A_127, %swap3A_128], %min3A_126 {strides = array<i32>} : memref<64x128xf32, #tpu.memory_space<vmem>>, vector<1x128xf32>,
    }
    %while3A_80 = arith.constant 1 : i32
    scf.for %while3A_86 = %while3A_78 to %while3A_74 step %while3A_80  : i32 {
      %eq3A_87 = vector.broadcast %while3A_86 : i32 to vector<256x1xi32>
      %eq3A_88 = arith.cmpi eq, %get3A_70, %eq3A_87 : vector<256x1xi32>
      %jit3A = arith.constant 0xFF800000 : f32
      %broadcast_in_dim3A_89 = vector.shape_cast %eq3A_88 : vector<256x1xi1> to vector<256x1xi1>
      %broadcast_in_dim3A_90 = vector.broadcast %broadcast_in_dim3A_89 : vector<256x1xi1> to vector<256x128xi1>
      %broadcast_in_dim3A_91 = vector.broadcast %jit3A : f32 to vector<256x128xf32>
      %select_n3A = arith.select %broadcast_in_dim3A_90, %max3A_25, %broadcast_in_dim3A_91 : vector<256x128xi1>, vector<256x128xf32>
      %reduce_max3A = arith.constant dense<0xFF800000> : vector<128xf32>
      %reduce_max3A_92 = vector.multi_reduction <maximumf>, %select_n3A, %reduce_max3A [0] : vector<256x128xf32> to vector<128xf32>
      %broadcast_in_dim3A_93 = vector.shape_cast %reduce_max3A_92 : vector<128xf32> to vector<1x128xf32>
      %jit3A_94 = arith.constant 0xFF800000 : f32
      %broadcast_in_dim3A_95 = vector.shape_cast %eq3A_88 : vector<256x1xi1> to vector<256x1xi1>
      %broadcast_in_dim3A_96 = vector.broadcast %broadcast_in_dim3A_95 : vector<256x1xi1> to vector<256x128xi1>
      %broadcast_in_dim3A_97 = vector.broadcast %jit3A_94 : f32 to vector<256x128xf32>
      %select_n3A_98 = arith.select %broadcast_in_dim3A_96, %get3A_8, %broadcast_in_dim3A_97 : vector<256x128xi1>, vector<256x128xf32>
      %reduce_max3A_99 = arith.constant dense<0xFF800000> : vector<128xf32>
      %reduce_max3A_100 = vector.multi_reduction <maximumf>, %select_n3A_98, %reduce_max3A_99 [0] : vector<256x128xf32> to vector<128xf32>
      %broadcast_in_dim3A_101 = vector.shape_cast %reduce_max3A_100 : vector<128xf32> to vector<1x128xf32>
      %jit3A_102 = arith.constant 0x7F800000 : f32
      %broadcast_in_dim3A_103 = vector.shape_cast %eq3A_88 : vector<256x1xi1> to vector<256x1xi1>
      %broadcast_in_dim3A_104 = vector.broadcast %broadcast_in_dim3A_103 : vector<256x1xi1> to vector<256x128xi1>
      %broadcast_in_dim3A_105 = vector.broadcast %jit3A_102 : f32 to vector<256x128xf32>
      %select_n3A_106 = arith.select %broadcast_in_dim3A_104, %get3A_8, %broadcast_in_dim3A_105 : vector<256x128xi1>, vector<256x128xf32>
      %reduce_min3A = arith.constant dense<0x7F800000> : vector<128xf32>
      %reduce_min3A_107 = vector.multi_reduction <minimumf>, %select_n3A_106, %reduce_min3A [0] : vector<256x128xf32> to vector<128xf32>
      %broadcast_in_dim3A_108 = vector.shape_cast %reduce_min3A_107 : vector<128xf32> to vector<1x128xf32>
      %get3A_109 = arith.index_cast %while3A_86 : i32 to index
      %get3A_110 = arith.constant 0 : index
      %get3A_111 = vector.load %arg14[%get3A_109, %get3A_110] : memref<64x128xf32, #tpu.memory_space<vmem>>, vector<1x128xf32>
      %max3A_112 = arith.maximumf %get3A_111, %broadcast_in_dim3A_93 : vector<1x128xf32>
      %swap3A_113 = arith.index_cast %while3A_86 : i32 to index
      %swap3A_114 = arith.constant 0 : index
      %swap3A_115 = vector.load %arg14[%swap3A_113, %swap3A_114] : memref<64x128xf32, #tpu.memory_space<vmem>>, vector<1x128xf32>
      tpu.vector_store %arg14[%swap3A_113, %swap3A_114], %max3A_112 {strides = array<i32>} : memref<64x128xf32, #tpu.memory_space<vmem>>, vector<1x128xf32>,
      %get3A_116 = arith.index_cast %while3A_86 : i32 to index
      %get3A_117 = arith.constant 0 : index
      %get3A_118 = vector.load %arg17[%get3A_116, %get3A_117] : memref<64x128xf32, #tpu.memory_space<vmem>>, vector<1x128xf32>
      %max3A_119 = arith.maximumf %get3A_118, %broadcast_in_dim3A_101 : vector<1x128xf32>
      %swap3A_120 = arith.index_cast %while3A_86 : i32 to index
      %swap3A_121 = arith.constant 0 : index
      %swap3A_122 = vector.load %arg17[%swap3A_120, %swap3A_121] : memref<64x128xf32, #tpu.memory_space<vmem>>, vector<1x128xf32>
      tpu.vector_store %arg17[%swap3A_120, %swap3A_121], %max3A_119 {strides = array<i32>} : memref<64x128xf32, #tpu.memory_space<vmem>>, vector<1x128xf32>,
      %get3A_123 = arith.index_cast %while3A_86 : i32 to index
      %get3A_124 = arith.constant 0 : index
      %get3A_125 = vector.load %arg18[%get3A_123, %get3A_124] : memref<64x128xf32, #tpu.memory_space<vmem>>, vector<1x128xf32>
      %min3A_126 = arith.minimumf %get3A_125, %broadcast_in_dim3A_108 : vector<1x128xf32>
      %swap3A_127 = arith.index_cast %while3A_86 : i32 to index
      %swap3A_128 = arith.constant 0 : index
      %swap3A_129 = vector.load %arg18[%swap3A_127, %swap3A_128] : memref<64x128xf32, #tpu.memory_space<vmem>>, vector<1x128xf32>
      tpu.vector_store %arg18[%swap3A_127, %swap3A_128], %min3A_126 {strides = array<i32>} : memref<64x128xf32, #tpu.memory_space<vmem>>, vector<1x128xf32>,
    }
    %eq3A_81 = arith.constant 39 : i32
    %eq3A_82 = arith.cmpi eq, %arg0, %eq3A_81 : i32
    %convert_element_type3A_83 = arith.extui %eq3A_82 : i1 to i32
    %cond3A_84 = arith.constant 0 : i32
    %cond3A_85 = arith.cmpi ne, %convert_element_type3A_83, %cond3A_84 : i32
    scf.if %cond3A_85 {
      %get3A_86 = arith.constant 0 : index
      %get3A_87 = arith.constant 0 : index
      %get3A_88 = vector.load %arg13[%get3A_86, %get3A_87] : memref<64x128xf32, #tpu.memory_space<vmem>>, vector<64x128xf32>
      %swap3A_89 = arith.constant 0 : index
      %swap3A_90 = arith.constant 0 : index
      %swap3A_91 = vector.load %arg6[%swap3A_89, %swap3A_90] : memref<64x128xf32, #tpu.memory_space<vmem>>, vector<64x128xf32>
      tpu.vector_store %arg6[%swap3A_89, %swap3A_90], %get3A_88 {strides = array<i32>} : memref<64x128xf32, #tpu.memory_space<vmem>>, vector<64x128xf32>,
      %get3A_92 = arith.constant 0 : index
      %get3A_93 = arith.constant 0 : index
      %get3A_94 = vector.load %arg14[%get3A_92, %get3A_93] : memref<64x128xf32, #tpu.memory_space<vmem>>, vector<64x128xf32>
      %swap3A_95 = arith.constant 0 : index
      %swap3A_96 = arith.constant 0 : index
      %swap3A_97 = vector.load %arg7[%swap3A_95, %swap3A_96] : memref<64x128xf32, #tpu.memory_space<vmem>>, vector<64x128xf32>
      tpu.vector_store %arg7[%swap3A_95, %swap3A_96], %get3A_94 {strides = array<i32>} : memref<64x128xf32, #tpu.memory_space<vmem>>, vector<64x128xf32>,
      %get3A_98 = arith.constant 0 : index
      %get3A_99 = arith.constant 0 : index
      %get3A_100 = vector.load %arg15[%get3A_98, %get3A_99] : memref<64x128xf32, #tpu.memory_space<vmem>>, vector<64x128xf32>
      %swap3A_101 = arith.constant 0 : index
      %swap3A_102 = arith.constant 0 : index
      %swap3A_103 = vector.load %arg8[%swap3A_101, %swap3A_102] : memref<64x128xf32, #tpu.memory_space<vmem>>, vector<64x128xf32>
      tpu.vector_store %arg8[%swap3A_101, %swap3A_102], %get3A_100 {strides = array<i32>} : memref<64x128xf32, #tpu.memory_space<vmem>>, vector<64x128xf32>,
      %get3A_104 = arith.constant 0 : index
      %get3A_105 = arith.constant 0 : index
      %get3A_106 = vector.load %arg16[%get3A_104, %get3A_105] : memref<64x128xf32, #tpu.memory_space<vmem>>, vector<64x128xf32>
      %swap3A_107 = arith.constant 0 : index
      %swap3A_108 = arith.constant 0 : index
      %swap3A_109 = vector.load %arg9[%swap3A_107, %swap3A_108] : memref<64x128xf32, #tpu.memory_space<vmem>>, vector<64x128xf32>
      tpu.vector_store %arg9[%swap3A_107, %swap3A_108], %get3A_106 {strides = array<i32>} : memref<64x128xf32, #tpu.memory_space<vmem>>, vector<64x128xf32>,
      %get3A_110 = arith.constant 0 : index
      %get3A_111 = arith.constant 0 : index
      %get3A_112 = vector.load %arg17[%get3A_110, %get3A_111] : memref<64x128xf32, #tpu.memory_space<vmem>>, vector<64x128xf32>
      %swap3A_113 = arith.constant 0 : index
      %swap3A_114 = arith.constant 0 : index
      %swap3A_115 = vector.load %arg10[%swap3A_113, %swap3A_114] : memref<64x128xf32, #tpu.memory_space<vmem>>, vector<64x128xf32>
      tpu.vector_store %arg10[%swap3A_113, %swap3A_114], %get3A_112 {strides = array<i32>} : memref<64x128xf32, #tpu.memory_space<vmem>>, vector<64x128xf32>,
      %get3A_116 = arith.constant 0 : index
      %get3A_117 = arith.constant 0 : index
      %get3A_118 = vector.load %arg18[%get3A_116, %get3A_117] : memref<64x128xf32, #tpu.memory_space<vmem>>, vector<64x128xf32>
      %swap3A_119 = arith.constant 0 : index
      %swap3A_120 = arith.constant 0 : index
      %swap3A_121 = vector.load %arg11[%swap3A_119, %swap3A_120] : memref<64x128xf32, #tpu.memory_space<vmem>>, vector<64x128xf32>
      tpu.vector_store %arg11[%swap3A_119, %swap3A_120], %get3A_118 {strides = array<i32>} : memref<64x128xf32, #tpu.memory_space<vmem>>, vector<64x128xf32>,
      %get3A_122 = arith.constant 0 : index
      %get3A_123 = arith.constant 0 : index
      %get3A_124 = vector.load %arg19[%get3A_122, %get3A_123] : memref<64x128xf32, #tpu.memory_space<vmem>>, vector<64x128xf32>
      %swap3A_125 = arith.constant 0 : index
      %swap3A_126 = arith.constant 0 : index
      %swap3A_127 = vector.load %arg12[%swap3A_125, %swap3A_126] : memref<64x128xf32, #tpu.memory_space<vmem>>, vector<64x128xf32>
      tpu.vector_store %arg12[%swap3A_125, %swap3A_126], %get3A_124 {strides = array<i32>} : memref<64x128xf32, #tpu.memory_space<vmem>>, vector<64x128xf32>,
    } else {
    }
    return
  }
  func.func @transform_0(%arg0: i32) -> (i32, i32) {
    %c0_i32 = arith.constant 0 : i32
    %c0_i32_0 = arith.constant 0 : i32
    return %arg0, %c0_i32 : i32, i32
  }
  func.func @transform_1(%arg0: i32) -> (i32, i32, i32) {
    %c0_i32 = arith.constant 0 : i32
    %c0_i32_0 = arith.constant 0 : i32
    %c0_i32_1 = arith.constant 0 : i32
    return %c0_i32, %arg0, %c0_i32_0 : i32, i32, i32
  }
  func.func @transform_2(%arg0: i32) -> (i32, i32) {
    %c0_i32 = arith.constant 0 : i32
    %c0_i32_0 = arith.constant 0 : i32
    %c0_i32_1 = arith.constant 0 : i32
    return %c0_i32, %c0_i32_0 : i32, i32
  }
  func.func @transform_3(%arg0: i32) -> (i32, i32, i32) {
    %c0_i32 = arith.constant 0 : i32
    %c0_i32_0 = arith.constant 0 : i32
    %c0_i32_1 = arith.constant 0 : i32
    return %arg0, %c0_i32, %c0_i32_0 : i32, i32, i32
  }
  func.func @transform_4(%arg0: i32) -> (i32, i32) {
    %c0_i32 = arith.constant 0 : i32
    %c0_i32_0 = arith.constant 0 : i32
    return %arg0, %c0_i32 : i32, i32
  }
  func.func @transform_5(%arg0: i32) -> (i32, i32) {
    %c0_i32 = arith.constant 0 : i32
    %c0_i32_0 = arith.constant 0 : i32
    %c0_i32_1 = arith.constant 0 : i32
    return %c0_i32, %c0_i32_0 : i32, i32
  }
  func.func @transform_6(%arg0: i32) -> (i32, i32) {
    %c0_i32 = arith.constant 0 : i32
    %c0_i32_0 = arith.constant 0 : i32
    %c0_i32_1 = arith.constant 0 : i32
    return %c0_i32, %c0_i32_0 : i32, i32
  }
  func.func @transform_7(%arg0: i32) -> (i32, i32) {
    %c0_i32 = arith.constant 0 : i32
    %c0_i32_0 = arith.constant 0 : i32
    %c0_i32_1 = arith.constant 0 : i32
    return %c0_i32, %c0_i32_0 : i32, i32
  }
  func.func @transform_8(%arg0: i32) -> (i32, i32) {
    %c0_i32 = arith.constant 0 : i32
    %c0_i32_0 = arith.constant 0 : i32
    %c0_i32_1 = arith.constant 0 : i32
    return %c0_i32, %c0_i32_0 : i32, i32
  }
  func.func @transform_9(%arg0: i32) -> (i32, i32) {
    %c0_i32 = arith.constant 0 : i32
    %c0_i32_0 = arith.constant 0 : i32
    %c0_i32_1 = arith.constant 0 : i32
    return %c0_i32, %c0_i32_0 : i32, i32
  }
  func.func @transform_10(%arg0: i32) -> (i32, i32) {
    %c0_i32 = arith.constant 0 : i32
    %c0_i32_0 = arith.constant 0 : i32
    %c0_i32_1 = arith.constant 0 : i32
    return %c0_i32, %c0_i32_0 : i32, i32
  }
  func.func @transform_11(%arg0: i32) -> (i32, i32) {
    %c0_i32 = arith.constant 0 : i32
    %c0_i32_0 = arith.constant 0 : i32
    %c0_i32_1 = arith.constant 0 : i32
    return %c0_i32, %c0_i32_0 : i32, i32
  }
}

module attributes {stable_mosaic.version = 14 : i64} {
  func.func @body(%arg0: memref<64x128xf32, #tpu.memory_space<vmem>>, %arg1: memref<64x128xf32, #tpu.memory_space<vmem>>, %arg2: memref<64x128xf32, #tpu.memory_space<vmem>>, %arg3: memref<64x128xf32, #tpu.memory_space<vmem>>, %arg4: memref<64x128xf32, #tpu.memory_space<vmem>>, %arg5: memref<64x128xf32, #tpu.memory_space<vmem>>, %arg6: memref<64x128xf32, #tpu.memory_space<vmem>>, %arg7: memref<896x128xf32, #tpu.memory_space<vmem>>, %arg8: memref<1x128xf32, #tpu.memory_space<vmem>>, %arg9: memref<1x128xf32, #tpu.memory_space<vmem>>, %arg10: memref<1x128xf32, #tpu.memory_space<vmem>>, %arg11: memref<1x128xf32, #tpu.memory_space<vmem>>, %arg12: memref<1x128xf32, #tpu.memory_space<vmem>>, %arg13: memref<128x256xf32, #tpu.memory_space<vmem>>, %arg14: memref<1x256xf32, #tpu.memory_space<vmem>>, %arg15: memref<1x256xf32, #tpu.memory_space<vmem>>, %arg16: memref<1x256xf32, #tpu.memory_space<vmem>>, %arg17: memref<1x256xf32, #tpu.memory_space<vmem>>, %arg18: memref<1x256xf32, #tpu.memory_space<vmem>>, %arg19: memref<256x512xf32, #tpu.memory_space<vmem>>, %arg20: memref<1x512xf32, #tpu.memory_space<vmem>>, %arg21: memref<1x512xf32, #tpu.memory_space<vmem>>, %arg22: memref<1x512xf32, #tpu.memory_space<vmem>>, %arg23: memref<1x512xf32, #tpu.memory_space<vmem>>, %arg24: memref<1x512xf32, #tpu.memory_space<vmem>>, %arg25: memref<512x64xf32, #tpu.memory_space<vmem>>, %arg26: memref<1x64xf32, #tpu.memory_space<vmem>>, %arg27: memref<64x64xf32, #tpu.memory_space<vmem>>, %arg28: memref<1x64xf32, #tpu.memory_space<vmem>>, %arg29: memref<64x1xf32, #tpu.memory_space<vmem>>, %arg30: memref<1x1xf32, #tpu.memory_space<vmem>>, %arg31: memref<512x64xf32, #tpu.memory_space<vmem>>, %arg32: memref<1x64xf32, #tpu.memory_space<vmem>>, %arg33: memref<64x64xf32, #tpu.memory_space<vmem>>, %arg34: memref<1x64xf32, #tpu.memory_space<vmem>>, %arg35: memref<64x2xf32, #tpu.memory_space<vmem>>, %arg36: memref<1x2xf32, #tpu.memory_space<vmem>>, %arg37: memref<2x2xf32, #tpu.memory_space<vmem>>, %arg38: memref<1x2xf32, #tpu.memory_space<vmem>>, %arg39: memref<512x64xf32, #tpu.memory_space<vmem>>, %arg40: memref<1x64xf32, #tpu.memory_space<vmem>>, %arg41: memref<64x64xf32, #tpu.memory_space<vmem>>, %arg42: memref<1x64xf32, #tpu.memory_space<vmem>>, %arg43: memref<64x2xf32, #tpu.memory_space<vmem>>, %arg44: memref<1x2xf32, #tpu.memory_space<vmem>>, %arg45: memref<64x5xf32, #tpu.memory_space<vmem>>) attributes {dimension_semantics = [], scalar_prefetch = 0 : i64, scratch_operands = 0 : i64, tpu.core_type = #tpu.core_type<tc>} {
    %get3A = arith.constant 0 : index
    %get3A_0 = arith.constant 0 : index
    %get3A_1 = vector.load %arg7[%get3A, %get3A_0] : memref<896x128xf32, #tpu.memory_space<vmem>>, vector<896x128xf32>
    %get3A_2 = arith.constant 0 : index
    %get3A_3 = arith.constant 0 : index
    %get3A_4 = vector.load %arg8[%get3A_2, %get3A_3] : memref<1x128xf32, #tpu.memory_space<vmem>>, vector<1x128xf32>
    %get3A_5 = arith.constant 0 : index
    %get3A_6 = arith.constant 0 : index
    %get3A_7 = vector.load %arg9[%get3A_5, %get3A_6] : memref<1x128xf32, #tpu.memory_space<vmem>>, vector<1x128xf32>
    %get3A_8 = arith.constant 0 : index
    %get3A_9 = arith.constant 0 : index
    %get3A_10 = vector.load %arg10[%get3A_8, %get3A_9] : memref<1x128xf32, #tpu.memory_space<vmem>>, vector<1x128xf32>
    %get3A_11 = arith.constant 0 : index
    %get3A_12 = arith.constant 0 : index
    %get3A_13 = vector.load %arg11[%get3A_11, %get3A_12] : memref<1x128xf32, #tpu.memory_space<vmem>>, vector<1x128xf32>
    %get3A_14 = arith.constant 0 : index
    %get3A_15 = arith.constant 0 : index
    %get3A_16 = vector.load %arg12[%get3A_14, %get3A_15] : memref<1x128xf32, #tpu.memory_space<vmem>>, vector<1x128xf32>
    %get3A_17 = arith.constant 0 : index
    %get3A_18 = arith.constant 0 : index
    %get3A_19 = vector.load %arg13[%get3A_17, %get3A_18] : memref<128x256xf32, #tpu.memory_space<vmem>>, vector<128x256xf32>
    %get3A_20 = arith.constant 0 : index
    %get3A_21 = arith.constant 0 : index
    %get3A_22 = vector.load %arg14[%get3A_20, %get3A_21] : memref<1x256xf32, #tpu.memory_space<vmem>>, vector<1x256xf32>
    %get3A_23 = arith.constant 0 : index
    %get3A_24 = arith.constant 0 : index
    %get3A_25 = vector.load %arg15[%get3A_23, %get3A_24] : memref<1x256xf32, #tpu.memory_space<vmem>>, vector<1x256xf32>
    %get3A_26 = arith.constant 0 : index
    %get3A_27 = arith.constant 0 : index
    %get3A_28 = vector.load %arg16[%get3A_26, %get3A_27] : memref<1x256xf32, #tpu.memory_space<vmem>>, vector<1x256xf32>
    %get3A_29 = arith.constant 0 : index
    %get3A_30 = arith.constant 0 : index
    %get3A_31 = vector.load %arg17[%get3A_29, %get3A_30] : memref<1x256xf32, #tpu.memory_space<vmem>>, vector<1x256xf32>
    %get3A_32 = arith.constant 0 : index
    %get3A_33 = arith.constant 0 : index
    %get3A_34 = vector.load %arg18[%get3A_32, %get3A_33] : memref<1x256xf32, #tpu.memory_space<vmem>>, vector<1x256xf32>
    %get3A_35 = arith.constant 0 : index
    %get3A_36 = arith.constant 0 : index
    %get3A_37 = vector.load %arg19[%get3A_35, %get3A_36] : memref<256x512xf32, #tpu.memory_space<vmem>>, vector<256x512xf32>
    %get3A_38 = arith.constant 0 : index
    %get3A_39 = arith.constant 0 : index
    %get3A_40 = vector.load %arg20[%get3A_38, %get3A_39] : memref<1x512xf32, #tpu.memory_space<vmem>>, vector<1x512xf32>
    %get3A_41 = arith.constant 0 : index
    %get3A_42 = arith.constant 0 : index
    %get3A_43 = vector.load %arg21[%get3A_41, %get3A_42] : memref<1x512xf32, #tpu.memory_space<vmem>>, vector<1x512xf32>
    %get3A_44 = arith.constant 0 : index
    %get3A_45 = arith.constant 0 : index
    %get3A_46 = vector.load %arg22[%get3A_44, %get3A_45] : memref<1x512xf32, #tpu.memory_space<vmem>>, vector<1x512xf32>
    %get3A_47 = arith.constant 0 : index
    %get3A_48 = arith.constant 0 : index
    %get3A_49 = vector.load %arg23[%get3A_47, %get3A_48] : memref<1x512xf32, #tpu.memory_space<vmem>>, vector<1x512xf32>
    %get3A_50 = arith.constant 0 : index
    %get3A_51 = arith.constant 0 : index
    %get3A_52 = vector.load %arg24[%get3A_50, %get3A_51] : memref<1x512xf32, #tpu.memory_space<vmem>>, vector<1x512xf32>
    %get3A_53 = arith.constant 0 : index
    %get3A_54 = arith.constant 0 : index
    %get3A_55 = vector.load %arg25[%get3A_53, %get3A_54] : memref<512x64xf32, #tpu.memory_space<vmem>>, vector<512x64xf32>
    %get3A_56 = arith.constant 0 : index
    %get3A_57 = arith.constant 0 : index
    %get3A_58 = vector.load %arg26[%get3A_56, %get3A_57] : memref<1x64xf32, #tpu.memory_space<vmem>>, vector<1x64xf32>
    %get3A_59 = arith.constant 0 : index
    %get3A_60 = arith.constant 0 : index
    %get3A_61 = vector.load %arg27[%get3A_59, %get3A_60] : memref<64x64xf32, #tpu.memory_space<vmem>>, vector<64x64xf32>
    %get3A_62 = arith.constant 0 : index
    %get3A_63 = arith.constant 0 : index
    %get3A_64 = vector.load %arg28[%get3A_62, %get3A_63] : memref<1x64xf32, #tpu.memory_space<vmem>>, vector<1x64xf32>
    %get3A_65 = arith.constant 0 : index
    %get3A_66 = arith.constant 0 : index
    %get3A_67 = vector.load %arg29[%get3A_65, %get3A_66] : memref<64x1xf32, #tpu.memory_space<vmem>>, vector<64x1xf32>
    %get3A_68 = arith.constant 0 : index
    %get3A_69 = arith.constant 0 : index
    %get3A_70 = vector.load %arg30[%get3A_68, %get3A_69] : memref<1x1xf32, #tpu.memory_space<vmem>>, vector<1x1xf32>
    %get3A_71 = arith.constant 0 : index
    %get3A_72 = arith.constant 0 : index
    %get3A_73 = vector.load %arg31[%get3A_71, %get3A_72] : memref<512x64xf32, #tpu.memory_space<vmem>>, vector<512x64xf32>
    %get3A_74 = arith.constant 0 : index
    %get3A_75 = arith.constant 0 : index
    %get3A_76 = vector.load %arg32[%get3A_74, %get3A_75] : memref<1x64xf32, #tpu.memory_space<vmem>>, vector<1x64xf32>
    %get3A_77 = arith.constant 0 : index
    %get3A_78 = arith.constant 0 : index
    %get3A_79 = vector.load %arg33[%get3A_77, %get3A_78] : memref<64x64xf32, #tpu.memory_space<vmem>>, vector<64x64xf32>
    %get3A_80 = arith.constant 0 : index
    %get3A_81 = arith.constant 0 : index
    %get3A_82 = vector.load %arg34[%get3A_80, %get3A_81] : memref<1x64xf32, #tpu.memory_space<vmem>>, vector<1x64xf32>
    %get3A_83 = arith.constant 0 : index
    %get3A_84 = arith.constant 0 : index
    %get3A_85 = vector.load %arg35[%get3A_83, %get3A_84] : memref<64x2xf32, #tpu.memory_space<vmem>>, vector<64x2xf32>
    %get3A_86 = arith.constant 0 : index
    %get3A_87 = arith.constant 0 : index
    %get3A_88 = vector.load %arg36[%get3A_86, %get3A_87] : memref<1x2xf32, #tpu.memory_space<vmem>>, vector<1x2xf32>
    %get3A_89 = arith.constant 0 : index
    %get3A_90 = arith.constant 0 : index
    %get3A_91 = vector.load %arg37[%get3A_89, %get3A_90] : memref<2x2xf32, #tpu.memory_space<vmem>>, vector<2x2xf32>
    %get3A_92 = arith.constant 0 : index
    %get3A_93 = arith.constant 0 : index
    %get3A_94 = vector.load %arg38[%get3A_92, %get3A_93] : memref<1x2xf32, #tpu.memory_space<vmem>>, vector<1x2xf32>
    %get3A_95 = arith.constant 0 : index
    %get3A_96 = arith.constant 0 : index
    %get3A_97 = vector.load %arg39[%get3A_95, %get3A_96] : memref<512x64xf32, #tpu.memory_space<vmem>>, vector<512x64xf32>
    %get3A_98 = arith.constant 0 : index
    %get3A_99 = arith.constant 0 : index
    %get3A_100 = vector.load %arg40[%get3A_98, %get3A_99] : memref<1x64xf32, #tpu.memory_space<vmem>>, vector<1x64xf32>
    %get3A_101 = arith.constant 0 : index
    %get3A_102 = arith.constant 0 : index
    %get3A_103 = vector.load %arg41[%get3A_101, %get3A_102] : memref<64x64xf32, #tpu.memory_space<vmem>>, vector<64x64xf32>
    %get3A_104 = arith.constant 0 : index
    %get3A_105 = arith.constant 0 : index
    %get3A_106 = vector.load %arg42[%get3A_104, %get3A_105] : memref<1x64xf32, #tpu.memory_space<vmem>>, vector<1x64xf32>
    %get3A_107 = arith.constant 0 : index
    %get3A_108 = arith.constant 0 : index
    %get3A_109 = vector.load %arg43[%get3A_107, %get3A_108] : memref<64x2xf32, #tpu.memory_space<vmem>>, vector<64x2xf32>
    %get3A_110 = arith.constant 0 : index
    %get3A_111 = arith.constant 0 : index
    %get3A_112 = vector.load %arg44[%get3A_110, %get3A_111] : memref<1x2xf32, #tpu.memory_space<vmem>>, vector<1x2xf32>
    %get3A_113 = arith.constant 0 : index
    %get3A_114 = arith.constant 0 : index
    %get3A_115 = vector.load %arg6[%get3A_113, %get3A_114] : memref<64x128xf32, #tpu.memory_space<vmem>>, vector<64x128xf32>
    %slice3A = vector.extract_strided_slice %get3A_115 {offsets = [0, 0], sizes = [64, 1], strides = [1, 1]} : vector<64x128xf32> to vector<64x1xf32>
    %max3A = arith.constant 1.000000e+00 : f32
    %max3A_116 = vector.broadcast %max3A : f32 to vector<64x1xf32>
    %max3A_117 = arith.maximumf %slice3A, %max3A_116 : vector<64x1xf32>
    %get3A_118 = arith.constant 0 : index
    %get3A_119 = arith.constant 0 : index
    %get3A_120 = vector.load %arg0[%get3A_118, %get3A_119] : memref<64x128xf32, #tpu.memory_space<vmem>>, vector<64x128xf32>
    %get3A_121 = arith.constant 0 : index
    %get3A_122 = arith.constant 0 : index
    %get3A_123 = vector.load %arg2[%get3A_121, %get3A_122] : memref<64x128xf32, #tpu.memory_space<vmem>>, vector<64x128xf32>
    %div3A = vector.broadcast %max3A_117 : vector<64x1xf32> to vector<64x128xf32>
    %div3A_124 = arith.divf %get3A_123, %div3A : vector<64x128xf32>
    %get3A_125 = arith.constant 0 : index
    %get3A_126 = arith.constant 0 : index
    %get3A_127 = vector.load %arg3[%get3A_125, %get3A_126] : memref<64x128xf32, #tpu.memory_space<vmem>>, vector<64x128xf32>
    %div3A_128 = vector.broadcast %max3A_117 : vector<64x1xf32> to vector<64x128xf32>
    %div3A_129 = arith.divf %get3A_127, %div3A_128 : vector<64x128xf32>
    %mul3A = arith.mulf %div3A_124, %div3A_124 : vector<64x128xf32>
    %sub3A = arith.subf %div3A_129, %mul3A : vector<64x128xf32>
    %abs3A = math.absf %sub3A : vector<64x128xf32>
    %get3A_130 = arith.constant 0 : index
    %get3A_131 = arith.constant 0 : index
    %get3A_132 = vector.load %arg1[%get3A_130, %get3A_131] : memref<64x128xf32, #tpu.memory_space<vmem>>, vector<64x128xf32>
    %div3A_133 = vector.broadcast %max3A_117 : vector<64x1xf32> to vector<64x128xf32>
    %div3A_134 = arith.divf %get3A_120, %div3A_133 : vector<64x128xf32>
    %get3A_135 = arith.constant 0 : index
    %get3A_136 = arith.constant 0 : index
    %get3A_137 = vector.load %arg4[%get3A_135, %get3A_136] : memref<64x128xf32, #tpu.memory_space<vmem>>, vector<64x128xf32>
    %get3A_138 = arith.constant 0 : index
    %get3A_139 = arith.constant 0 : index
    %get3A_140 = vector.load %arg5[%get3A_138, %get3A_139] : memref<64x128xf32, #tpu.memory_space<vmem>>, vector<64x128xf32>
    %concatenate3A = tpu.concatenate %get3A_132, %div3A_134, %get3A_120, %div3A_124, %abs3A, %get3A_137, %get3A_140 in 1 : vector<64x128xf32>, vector<64x128xf32>, vector<64x128xf32>, vector<64x128xf32>, vector<64x128xf32>, vector<64x128xf32>, vector<64x128xf32> -> vector<64x896xf32>
    %dot_general3A = arith.constant dense<0.000000e+00> : vector<64x128xf32>
    %dot_general3A_141 = tpu.matmul %concatenate3A, %get3A_1, %dot_general3A {dimension_numbers = #tpu.dot_dimension_numbers<[1], [0], [0], [1], [0, 0, 1, 1], [], []>, transpose_lhs_hint = false} : vector<64x896xf32>, vector<896x128xf32>, vector<64x128xf32> -> vector<64x128xf32>
    %add3A = vector.broadcast %get3A_4 : vector<1x128xf32> to vector<64x128xf32>
    %add3A_142 = arith.addf %dot_general3A_141, %add3A : vector<64x128xf32>
    %ge3A = arith.constant 0.000000e+00 : f32
    %ge3A_143 = vector.broadcast %ge3A : f32 to vector<64x128xf32>
    %ge3A_144 = arith.cmpf oge, %add3A_142, %ge3A_143 : vector<64x128xf32>
    %mul3A_145 = arith.constant 1.500000e-01 : f32
    %mul3A_146 = vector.broadcast %mul3A_145 : f32 to vector<64x128xf32>
    %mul3A_147 = arith.mulf %mul3A_146, %add3A_142 : vector<64x128xf32>
    %select_n3A = arith.select %ge3A_144, %add3A_142, %mul3A_147 : vector<64x128xi1>, vector<64x128xf32>
    %sub3A_148 = vector.broadcast %get3A_13 : vector<1x128xf32> to vector<64x128xf32>
    %sub3A_149 = arith.subf %select_n3A, %sub3A_148 : vector<64x128xf32>
    %add3A_150 = arith.constant 1.000000e-03 : f32
    %add3A_151 = vector.broadcast %add3A_150 : f32 to vector<1x128xf32>
    %add3A_152 = arith.addf %get3A_16, %add3A_151 : vector<1x128xf32>
    %rsqrt3A = math.rsqrt %add3A_152 : vector<1x128xf32>
    %mul3A_153 = vector.broadcast %rsqrt3A : vector<1x128xf32> to vector<64x128xf32>
    %mul3A_154 = arith.mulf %sub3A_149, %mul3A_153 : vector<64x128xf32>
    %mul3A_155 = vector.broadcast %get3A_7 : vector<1x128xf32> to vector<64x128xf32>
    %mul3A_156 = arith.mulf %mul3A_154, %mul3A_155 : vector<64x128xf32>
    %add3A_157 = vector.broadcast %get3A_10 : vector<1x128xf32> to vector<64x128xf32>
    %add3A_158 = arith.addf %mul3A_156, %add3A_157 : vector<64x128xf32>
    %dot_general3A_159 = arith.constant dense<0.000000e+00> : vector<64x256xf32>
    %dot_general3A_160 = tpu.matmul %add3A_158, %get3A_19, %dot_general3A_159 {dimension_numbers = #tpu.dot_dimension_numbers<[1], [0], [0], [1], [0, 0, 1, 1], [], []>, transpose_lhs_hint = false} : vector<64x128xf32>, vector<128x256xf32>, vector<64x256xf32> -> vector<64x256xf32>
    %add3A_161 = vector.broadcast %get3A_22 : vector<1x256xf32> to vector<64x256xf32>
    %add3A_162 = arith.addf %dot_general3A_160, %add3A_161 : vector<64x256xf32>
    %ge3A_163 = arith.constant 0.000000e+00 : f32
    %ge3A_164 = vector.broadcast %ge3A_163 : f32 to vector<64x256xf32>
    %ge3A_165 = arith.cmpf oge, %add3A_162, %ge3A_164 : vector<64x256xf32>
    %mul3A_166 = arith.constant 1.500000e-01 : f32
    %mul3A_167 = vector.broadcast %mul3A_166 : f32 to vector<64x256xf32>
    %mul3A_168 = arith.mulf %mul3A_167, %add3A_162 : vector<64x256xf32>
    %select_n3A_169 = arith.select %ge3A_165, %add3A_162, %mul3A_168 : vector<64x256xi1>, vector<64x256xf32>
    %sub3A_170 = vector.broadcast %get3A_31 : vector<1x256xf32> to vector<64x256xf32>
    %sub3A_171 = arith.subf %select_n3A_169, %sub3A_170 : vector<64x256xf32>
    %add3A_172 = arith.constant 1.000000e-03 : f32
    %add3A_173 = vector.broadcast %add3A_172 : f32 to vector<1x256xf32>
    %add3A_174 = arith.addf %get3A_34, %add3A_173 : vector<1x256xf32>
    %rsqrt3A_175 = math.rsqrt %add3A_174 : vector<1x256xf32>
    %mul3A_176 = vector.broadcast %rsqrt3A_175 : vector<1x256xf32> to vector<64x256xf32>
    %mul3A_177 = arith.mulf %sub3A_171, %mul3A_176 : vector<64x256xf32>
    %mul3A_178 = vector.broadcast %get3A_25 : vector<1x256xf32> to vector<64x256xf32>
    %mul3A_179 = arith.mulf %mul3A_177, %mul3A_178 : vector<64x256xf32>
    %add3A_180 = vector.broadcast %get3A_28 : vector<1x256xf32> to vector<64x256xf32>
    %add3A_181 = arith.addf %mul3A_179, %add3A_180 : vector<64x256xf32>
    %dot_general3A_182 = arith.constant dense<0.000000e+00> : vector<64x512xf32>
    %dot_general3A_183 = tpu.matmul %add3A_181, %get3A_37, %dot_general3A_182 {dimension_numbers = #tpu.dot_dimension_numbers<[1], [0], [0], [1], [0, 0, 1, 1], [], []>, transpose_lhs_hint = false} : vector<64x256xf32>, vector<256x512xf32>, vector<64x512xf32> -> vector<64x512xf32>
    %add3A_184 = vector.broadcast %get3A_40 : vector<1x512xf32> to vector<64x512xf32>
    %add3A_185 = arith.addf %dot_general3A_183, %add3A_184 : vector<64x512xf32>
    %ge3A_186 = arith.constant 0.000000e+00 : f32
    %ge3A_187 = vector.broadcast %ge3A_186 : f32 to vector<64x512xf32>
    %ge3A_188 = arith.cmpf oge, %add3A_185, %ge3A_187 : vector<64x512xf32>
    %mul3A_189 = arith.constant 1.500000e-01 : f32
    %mul3A_190 = vector.broadcast %mul3A_189 : f32 to vector<64x512xf32>
    %mul3A_191 = arith.mulf %mul3A_190, %add3A_185 : vector<64x512xf32>
    %select_n3A_192 = arith.select %ge3A_188, %add3A_185, %mul3A_191 : vector<64x512xi1>, vector<64x512xf32>
    %sub3A_193 = vector.broadcast %get3A_49 : vector<1x512xf32> to vector<64x512xf32>
    %sub3A_194 = arith.subf %select_n3A_192, %sub3A_193 : vector<64x512xf32>
    %add3A_195 = arith.constant 1.000000e-03 : f32
    %add3A_196 = vector.broadcast %add3A_195 : f32 to vector<1x512xf32>
    %add3A_197 = arith.addf %get3A_52, %add3A_196 : vector<1x512xf32>
    %rsqrt3A_198 = math.rsqrt %add3A_197 : vector<1x512xf32>
    %mul3A_199 = vector.broadcast %rsqrt3A_198 : vector<1x512xf32> to vector<64x512xf32>
    %mul3A_200 = arith.mulf %sub3A_194, %mul3A_199 : vector<64x512xf32>
    %mul3A_201 = vector.broadcast %get3A_43 : vector<1x512xf32> to vector<64x512xf32>
    %mul3A_202 = arith.mulf %mul3A_200, %mul3A_201 : vector<64x512xf32>
    %add3A_203 = vector.broadcast %get3A_46 : vector<1x512xf32> to vector<64x512xf32>
    %add3A_204 = arith.addf %mul3A_202, %add3A_203 : vector<64x512xf32>
    %dot_general3A_205 = arith.constant dense<0.000000e+00> : vector<64x64xf32>
    %dot_general3A_206 = tpu.matmul %add3A_204, %get3A_55, %dot_general3A_205 {dimension_numbers = #tpu.dot_dimension_numbers<[1], [0], [0], [1], [0, 0, 1, 1], [], []>, transpose_lhs_hint = false} : vector<64x512xf32>, vector<512x64xf32>, vector<64x64xf32> -> vector<64x64xf32>
    %add3A_207 = vector.broadcast %get3A_58 : vector<1x64xf32> to vector<64x64xf32>
    %add3A_208 = arith.addf %dot_general3A_206, %add3A_207 : vector<64x64xf32>
    %dot_general3A_209 = arith.constant dense<0.000000e+00> : vector<64x64xf32>
    %dot_general3A_210 = tpu.matmul %add3A_208, %get3A_61, %dot_general3A_209 {dimension_numbers = #tpu.dot_dimension_numbers<[1], [0], [0], [1], [0, 0, 1, 1], [], []>, transpose_lhs_hint = false} : vector<64x64xf32>, vector<64x64xf32>, vector<64x64xf32> -> vector<64x64xf32>
    %add3A_211 = vector.broadcast %get3A_64 : vector<1x64xf32> to vector<64x64xf32>
    %add3A_212 = arith.addf %dot_general3A_210, %add3A_211 : vector<64x64xf32>
    %dot_general3A_213 = arith.constant dense<0.000000e+00> : vector<64x1xf32>
    %dot_general3A_214 = tpu.matmul %add3A_212, %get3A_67, %dot_general3A_213 {dimension_numbers = #tpu.dot_dimension_numbers<[1], [0], [0], [1], [0, 0, 1, 1], [], []>, transpose_lhs_hint = false} : vector<64x64xf32>, vector<64x1xf32>, vector<64x1xf32> -> vector<64x1xf32>
    %add3A_215 = vector.broadcast %get3A_70 : vector<1x1xf32> to vector<64x1xf32>
    %add3A_216 = arith.addf %dot_general3A_214, %add3A_215 : vector<64x1xf32>
    %dot_general3A_217 = arith.constant dense<0.000000e+00> : vector<64x64xf32>
    %dot_general3A_218 = tpu.matmul %add3A_204, %get3A_73, %dot_general3A_217 {dimension_numbers = #tpu.dot_dimension_numbers<[1], [0], [0], [1], [0, 0, 1, 1], [], []>, transpose_lhs_hint = false} : vector<64x512xf32>, vector<512x64xf32>, vector<64x64xf32> -> vector<64x64xf32>
    %add3A_219 = vector.broadcast %get3A_76 : vector<1x64xf32> to vector<64x64xf32>
    %add3A_220 = arith.addf %dot_general3A_218, %add3A_219 : vector<64x64xf32>
    %dot_general3A_221 = arith.constant dense<0.000000e+00> : vector<64x64xf32>
    %dot_general3A_222 = tpu.matmul %add3A_220, %get3A_79, %dot_general3A_221 {dimension_numbers = #tpu.dot_dimension_numbers<[1], [0], [0], [1], [0, 0, 1, 1], [], []>, transpose_lhs_hint = false} : vector<64x64xf32>, vector<64x64xf32>, vector<64x64xf32> -> vector<64x64xf32>
    %add3A_223 = vector.broadcast %get3A_82 : vector<1x64xf32> to vector<64x64xf32>
    %add3A_224 = arith.addf %dot_general3A_222, %add3A_223 : vector<64x64xf32>
    %dot_general3A_225 = arith.constant dense<0.000000e+00> : vector<64x2xf32>
    %dot_general3A_226 = tpu.matmul %add3A_224, %get3A_85, %dot_general3A_225 {dimension_numbers = #tpu.dot_dimension_numbers<[1], [0], [0], [1], [0, 0, 1, 1], [], []>, transpose_lhs_hint = false} : vector<64x64xf32>, vector<64x2xf32>, vector<64x2xf32> -> vector<64x2xf32>
    %add3A_227 = vector.broadcast %get3A_88 : vector<1x2xf32> to vector<64x2xf32>
    %add3A_228 = arith.addf %dot_general3A_226, %add3A_227 : vector<64x2xf32>
    %dot_general3A_229 = arith.constant dense<0.000000e+00> : vector<64x2xf32>
    %dot_general3A_230 = tpu.matmul %add3A_228, %get3A_91, %dot_general3A_229 {dimension_numbers = #tpu.dot_dimension_numbers<[1], [0], [0], [1], [0, 0, 1, 1], [], []>, transpose_lhs_hint = false} : vector<64x2xf32>, vector<2x2xf32>, vector<64x2xf32> -> vector<64x2xf32>
    %add3A_231 = vector.broadcast %get3A_94 : vector<1x2xf32> to vector<64x2xf32>
    %add3A_232 = arith.addf %dot_general3A_230, %add3A_231 : vector<64x2xf32>
    %logistic3A = arith.negf %add3A_232 : vector<64x2xf32>
    %logistic3A_233 = math.exp %logistic3A : vector<64x2xf32>
    %logistic3A_234 = arith.constant 1.000000e+00 : f32
    %logistic3A_235 = vector.broadcast %logistic3A_234 : f32 to vector<64x2xf32>
    %logistic3A_236 = arith.addf %logistic3A_235, %logistic3A_233 : vector<64x2xf32>
    %logistic3A_237 = arith.divf %logistic3A_235, %logistic3A_236 : vector<64x2xf32>
    %dot_general3A_238 = arith.constant dense<0.000000e+00> : vector<64x64xf32>
    %dot_general3A_239 = tpu.matmul %add3A_204, %get3A_97, %dot_general3A_238 {dimension_numbers = #tpu.dot_dimension_numbers<[1], [0], [0], [1], [0, 0, 1, 1], [], []>, transpose_lhs_hint = false} : vector<64x512xf32>, vector<512x64xf32>, vector<64x64xf32> -> vector<64x64xf32>
    %add3A_240 = vector.broadcast %get3A_100 : vector<1x64xf32> to vector<64x64xf32>
    %add3A_241 = arith.addf %dot_general3A_239, %add3A_240 : vector<64x64xf32>
    %dot_general3A_242 = arith.constant dense<0.000000e+00> : vector<64x64xf32>
    %dot_general3A_243 = tpu.matmul %add3A_241, %get3A_103, %dot_general3A_242 {dimension_numbers = #tpu.dot_dimension_numbers<[1], [0], [0], [1], [0, 0, 1, 1], [], []>, transpose_lhs_hint = false} : vector<64x64xf32>, vector<64x64xf32>, vector<64x64xf32> -> vector<64x64xf32>
    %add3A_244 = vector.broadcast %get3A_106 : vector<1x64xf32> to vector<64x64xf32>
    %add3A_245 = arith.addf %dot_general3A_243, %add3A_244 : vector<64x64xf32>
    %dot_general3A_246 = arith.constant dense<0.000000e+00> : vector<64x2xf32>
    %dot_general3A_247 = tpu.matmul %add3A_245, %get3A_109, %dot_general3A_246 {dimension_numbers = #tpu.dot_dimension_numbers<[1], [0], [0], [1], [0, 0, 1, 1], [], []>, transpose_lhs_hint = false} : vector<64x64xf32>, vector<64x2xf32>, vector<64x2xf32> -> vector<64x2xf32>
    %add3A_248 = vector.broadcast %get3A_112 : vector<1x2xf32> to vector<64x2xf32>
    %add3A_249 = arith.addf %dot_general3A_247, %add3A_248 : vector<64x2xf32>
    %abs3A_250 = math.absf %add3A_249 : vector<64x2xf32>
    %add3A_251 = arith.constant 9.99999974E-6 : f32
    %add3A_252 = vector.broadcast %add3A_251 : f32 to vector<64x2xf32>
    %add3A_253 = arith.addf %abs3A_250, %add3A_252 : vector<64x2xf32>
    %slice3A_254 = vector.extract_strided_slice %logistic3A_237 {offsets = [0, 0], sizes = [64, 1], strides = [1, 1]} : vector<64x2xf32> to vector<64x1xf32>
    %mul3A_255 = arith.constant 3.14159274 : f32
    %mul3A_256 = vector.broadcast %mul3A_255 : f32 to vector<64x1xf32>
    %mul3A_257 = arith.mulf %slice3A_254, %mul3A_256 : vector<64x1xf32>
    %slice3A_258 = vector.extract_strided_slice %logistic3A_237 {offsets = [0, 1], sizes = [64, 1], strides = [1, 1]} : vector<64x2xf32> to vector<64x1xf32>
    %mul3A_259 = arith.constant 6.28318548 : f32
    %mul3A_260 = vector.broadcast %mul3A_259 : f32 to vector<64x1xf32>
    %mul3A_261 = arith.mulf %slice3A_258, %mul3A_260 : vector<64x1xf32>
    %concatenate3A_262 = tpu.concatenate %add3A_216, %mul3A_257, %mul3A_261, %add3A_253 in 1 : vector<64x1xf32>, vector<64x1xf32>, vector<64x1xf32>, vector<64x2xf32> -> vector<64x5xf32>
    %swap3A = arith.constant 0 : index
    %swap3A_263 = arith.constant 0 : index
    %swap3A_264 = vector.load %arg45[%swap3A, %swap3A_263] : memref<64x5xf32, #tpu.memory_space<vmem>>, vector<64x5xf32>
    tpu.vector_store %arg45[%swap3A, %swap3A_263], %concatenate3A_262 {strides = array<i32>} : memref<64x5xf32, #tpu.memory_space<vmem>>, vector<64x5xf32>,
    return
  }
}

</mosaic_0001>

<sc_bundles>
// kernel: kernel.11.cloned.1.call-start
scs
__scs_entry_jumppad:
0x0: {  	(pc) =	sbr.rel $0x88, $3  }
0x1: {  	(tag) =	ssettag $0x0;
	lr =	simm.s32 $0x1  }
0x2: {  	[smem:$0x3F74] =	sst lr;
	_ =	strace $0xD0000000  }
0x3: {  	_ = 	snop  }
0x4: {  	_ = 	snop  }
0x5: {  	_ = 	snop  }
0x6: {  	_ = 	snop  }
0x7: {  	_ = 	snop  }
__scs_overlays_trampoline_lowered:
0x8: {  	[smem:$0x3F83] =	sst s0  }
0x9: {  	[smem:$0x3F84] =	sst s1  }
0xa: {  	[smem:$0x3F85] =	sst s2  }
0xb: {  	[smem:$0x3F86] =	sst s3  }
0xc: {  	[smem:$0x3F87] =	sst s4  }
0xd: {  	[smem:$0x3F88] =	sst s5  }
0xe: {  	[smem:$0x3F89] =	sst s6  }
0xf: {  	[smem:$0x3F8A] =	sst s7  }
0x10: {  	[smem:$0x3F8B] =	sst s8  }
0x11: {  	[smem:$0x3F8C] =	sst s9;
	s0 =	simm.s32 @!p0 $0x0  }
0x12: {  	s1 =	sld [smem:$0x3F72];
	s0 =	simm.s32 @p0 $0x1  }
0x13: {  	[smem:$0x3F8D] =	sst s0;
	s0 =	simm.s32 @!p1 $0x0  }
0x14: {  	s2 =	sld [smem:$0x3F71];
	s0 =	simm.s32 @p1 $0x1  }
0x15: {  	[smem:$0x3F8E] =	sst s0;
	s0 =	simm.s32 @!p2 $0x0  }
0x16: {  	s3 =	sld [smem:$0x3FDB];
	s0 =	simm.s32 @p2 $0x1  }
0x17: {  	s4 =	simm.s32 $0x1BF5;
	[smem:$0x3F90] =	sst s0  }
0x18: {  	s0 =	sld [smem:$0x3F73];
	_ =	swait.ge [sflag:s4], $0x0  }
0x19: {  	s7 =	sld [smem:$0x3F74]  }
0x1a: {  	s8 =	sadd.s32 $0xFFFFE003, lr  }
0x1b: {  	s9 =	sadd.s32 $0xFFFFFEF7, lr;
	s5 =	simm.s32 $0xFFFFFFFF;
	p2 =	slt.u32 s8, $0xFFFFF086  }
0x1c: {  	p1 =	slt.u32 s9, $0xF7A;
	s5 =	simm.s32 @!p2 $0x0  }
0x1d: {  	s5 =	simm.s32 @p1 $0x1;
	p0 =	seq.s32 s7, s2  }
0x1e: {  	s7 =	smul.u32 @!p0 $0xF7A, s2;
	p2 =	seq.s32 @!p0 s5, $0x0  }
0x1f: {  	s9 =	smul.u32 $0xF7A, s1;
	s8 =	simm.s32 @!p0 $0x1BF5;
	p2 =	por !p2, p0  }
0x20: {  	[sflag:s8] =	ssyncset.s32 @!p0 $0xFFFFF086;
	s6 =	sadd.s32 @!p0 s3, s7;
	s7 =	simm.s32 @!p0 $0x108  }
0x21: {  	s3 =	sadd.s32 s3, s9;
	s6 =	sadd.s32 @!p0 $0x88, s6;
	s7 =	simm.s32 @p2 $0x1082  }
0x22: {  	[simem:s7], [sflag:s8] =	dma.local @!p0 [hbm:s6], $0xF7A  }
0x23: {  	s9 =	sor.u32 $0xD0000000, s2;
	s6 =	simm.s32 $0x108;
	_ =	swait.ge @!p0 [sflag:s8], $0x0  }
0x24: {  	s3 =	sadd.s32 $0x88, s3;
	s6 =	simm.s32 @!p1 $0x1082;
	[sflag:s4] =	ssyncset.s32 $0xFFFFF086  }
0x25: {  	[simem:s6], [sflag:s4] =	dma.local [hbm:s3], $0xF7A  }
0x26: {  	[smem:$0x3F74] =	sst s1;
	(tag) =	ssettag s2;
	_ =	strace s9  }
0x27: {  	s1 =	sld [smem:$0x3F84]  }
0x28: {  	s2 =	sld [smem:$0x3F85]  }
0x29: {  	s4 =	sld [smem:$0x3F87]  }
0x2a: {  	p0 =	seq.s32 s5, $0x0;
	s5 =	sld [smem:$0x3F88]  }
0x2b: {  	s6 =	sld [smem:$0x3F89]  }
0x2c: {  	s7 =	sld [smem:$0x3F8A]  }
0x2d: {  	s3 =	simm.s32 $0x108;
	s8 =	sld [smem:$0x3F8B]  }
0x2e: {  	s3 =	simm.s32 @!p0 $0x1082;
	s9 =	sld [smem:$0x3F8C]  }
0x2f: {  	lr =	sadd.s32 s0, s3;
	s0 =	sld [smem:$0x3F83]  }
0x30: {  	s3 =	sld [smem:$0x3F86]  }
0x31: {  	[smem:$0x3F8F] =	sst s10  }
0x32: {  	s10 =	sld [smem:$0x3F8D];
	_ =	sdelay $0x3  }
0x33: {  	p0 =	seq.s32 s10, $0x1;
	s10 =	sld [smem:$0x3F8F];
	_ =	sdelay $0x3  }
0x34: {  	[smem:$0x3F8F] =	sst s10  }
0x35: {  	s10 =	sld [smem:$0x3F8E];
	_ =	sdelay $0x3  }
0x36: {  	p1 =	seq.s32 s10, $0x1;
	s10 =	sld [smem:$0x3F8F];
	_ =	sdelay $0x3  }
0x37: {  	[smem:$0x3F8F] =	sst s10  }
0x38: {  	s10 =	sld [smem:$0x3F90]  }
0x39: {  	_ = 	snop;
	(pc) =	sbr.ind lr, $3  }
0x3a: {  	_ = 	snop  }
0x3b: {  	_ = 	snop  }
0x3c: {  	p2 =	seq.s32 s10, $0x1;
	s10 =	sld [smem:$0x3F8F]  }
0x3d: {  	_ =	shalt  }
0x3e: {  	_ =	shalt  }
0x3f: {  	_ =	shalt  }
0x40: {  	_ =	shalt  }
0x41: {  	_ =	shalt  }
0x42: {  	_ =	shalt  }
0x43: {  	_ =	shalt  }
0x44: {  	_ =	shalt  }
0x45: {  	_ =	shalt  }
0x46: {  	_ =	shalt  }
0x47: {  	_ =	shalt  }
0x48: {  	_ =	shalt  }
0x49: {  	_ =	shalt  }
0x4a: {  	_ =	shalt  }
0x4b: {  	_ =	shalt  }
0x4c: {  	_ =	shalt  }
0x4d: {  	_ =	shalt  }
0x4e: {  	_ =	shalt  }
0x4f: {  	_ =	shalt  }
0x50: {  	_ =	shalt  }
0x51: {  	_ =	shalt  }
0x52: {  	_ =	shalt  }
0x53: {  	_ =	shalt  }
0x54: {  	_ =	shalt  }
0x55: {  	_ =	shalt  }
0x56: {  	_ =	shalt  }
0x57: {  	_ =	shalt  }
0x58: {  	_ =	shalt  }
0x59: {  	_ =	shalt  }
0x5a: {  	_ =	shalt  }
0x5b: {  	_ =	shalt  }
0x5c: {  	_ =	shalt  }
0x5d: {  	_ =	shalt  }
0x5e: {  	_ =	shalt  }
0x5f: {  	_ =	shalt  }
0x60: {  	_ =	shalt  }
0x61: {  	_ =	shalt  }
0x62: {  	_ =	shalt  }
0x63: {  	_ =	shalt  }
0x64: {  	_ =	shalt  }
0x65: {  	_ =	shalt  }
0x66: {  	_ =	shalt  }
0x67: {  	_ =	shalt  }
0x68: {  	_ =	shalt  }
0x69: {  	_ =	shalt  }
0x6a: {  	_ =	shalt  }
0x6b: {  	_ =	shalt  }
0x6c: {  	_ =	shalt  }
0x6d: {  	_ =	shalt  }
0x6e: {  	_ =	shalt  }
0x6f: {  	_ =	shalt  }
0x70: {  	_ =	shalt  }
0x71: {  	_ =	shalt  }
0x72: {  	_ =	shalt  }
0x73: {  	_ =	shalt  }
0x74: {  	_ =	shalt  }
0x75: {  	_ =	shalt  }
0x76: {  	_ =	shalt  }
0x77: {  	_ =	shalt  }
0x78: {  	_ =	shalt  }
0x79: {  	_ =	shalt  }
0x7a: {  	_ =	shalt  }
0x7b: {  	_ =	shalt  }
0x7c: {  	_ =	shalt  }
0x7d: {  	_ =	shalt  }
0x7e: {  	_ =	shalt  }
0x7f: {  	_ =	shalt  }
0x80: {  	_ =	shalt  }
0x81: {  	_ =	shalt  }
0x82: {  	_ =	shalt  }
0x83: {  	_ =	shalt  }
0x84: {  	_ =	shalt  }
0x85: {  	_ =	shalt  }
0x86: {  	_ =	shalt  }
0x87: {  	_ =	shalt  }
.Lfunc_end0:
.L_simem_size_0:
called_computation.1_lowered:
.L_overlay_start_0:
0x88: {  	s2 =	sld [smem:$0x3FD9]  }
0x89: {  	s3 =	sld [smem:$0x3FFE];
	_ =	sdelay $0x1  }
0x8a: {  	s1 =	srdreg.scid  }
0x8b: {  	s0 =	sand.u32 $0x1, s1  }
0x8c: {  	s16 =	sshll.u32 s0, $0xA;
	s2 =	sadd.s32 s3, s2  }
0x8d: {  	s2 =	sadd.s32 s2, s16  }
0x8e: {  	[smem:$0x3F9B] =	sst s2  }
0x8f: {  	_ = 	snop  }
0x90: {  	(tm) =	ssettm $0x1  }
0x91: {  	s17 =	sld [smem:$0x3FFB];
	_ =	sdelay $0x3  }
0x92: {  	_ =	strace s17  }
0x93: {  	s2 =	sld [smem:$0x3FFC];
	_ =	sdelay $0x3  }
0x94: {  	_ =	strace s2  }
0x95: {  	s2 =	sld [smem:$0x3FFD];
	_ =	sdelay $0x3  }
0x96: {  	_ =	strace s2  }
0x97: {  	_ =	strace $0x8FFFFFFF  }
0x98: {  	s18 =	sld [smem:$0x3FDB];
	_ =	sdelay $0x1  }
0x99: {  	s19 =	simm.s32 $_scs_section_size  }
0x9a: {  	s4 =	simm.s32 $_size__tile_overlayer_lowered;
	s5 =	simm.s32 $_tile_overlayer_lowered  }
0x9b: {  	s22 =	simm.s32 $0x1BFF;
	s21 =	sshll.u32 s5, $0x1;
	s2 =	sadd.s32 s19, s18  }
0x9c: {  	s6 =	simm.s32 $0x0;
	s20 =	sshll.u32 s4, $0x1;
	s4 =	sadd.s32 s21, s2  }
0x9d: {  	[timem:s6], [sflag:s22] =	dma.local [hbm:s4], s20  }
0x9e: {  	_ =	swait.ge [sflag:s22], s20  }
0x9f: {  	s3 =	ssub.s32 $0x0, s20;
	[sflag:s22] =	ssyncset.done $0x0  }
0xa0: {  	[sflag:s22] =	ssyncadd.s32 s3;
	_ =	sdelay $0x1  }
0xa1: {  	s23 =	simm.s32 $0x1B8B  }
0xa2: {  	_ =	swait.ge [sflag:s23], $0x1  }
0xa3: {  	[sflag:s23] =	ssyncset.done $0x0  }
0xa4: {  	s25 =	simm.s32 $0x1B8E;
	s24 =	sld [smem:$0x3FFE];
	[sflag:s23] =	ssyncadd.s32 $0xFFFFFFFF  }
0xa5: {  	s26 =	simm.s32 $execute0_lowered;
	[smem:$0x3FD2] =	sst s25  }
0xa6: {  	s4 =	sshll.u32 s26, $0x1;
	_ =	strace $0x80000049;
	[dreg:$0x1] =	wrdreg $0xFFFFFFFF  }
0xa7: {  	s28 =	simm.s32 $_size_execute0_lowered;
	s2 =	sadd.s32 s2, s4;
	[dreg:$0x0] =	wrdreg $0x0  }
0xa8: {  	s4 =	sshll.u32 s28, $0x1;
	[dreg:$0x2] =	wrdreg s2  }
0xa9: {  	[dreg:$0x3] =	wrdreg s4  }
0xaa: {  	[dreg:$0x4] =	wrdreg $0xC0  }
0xab: {  	_ =	task [dreg:s6], $0x5FFFF  }
0xac: {  	[dreg:$0x1] =	wrdreg $0xFFFFFFFF  }
0xad: {  	[dreg:$0x0] =	wrdreg $0x60  }
0xae: {  	[dreg:$0x2] =	wrdreg s24  }
0xaf: {  	[dreg:$0x3] =	wrdreg $0x90000  }
0xb0: {  	[dreg:$0x4] =	wrdreg $0x9  }
0xb1: {  	_ =	task.clear_ibuf [dreg:s6], $0x5FFFF;
	_ =	strace $0x90000049  }
0xb2: {  	s29 =	simm.s32 $0x9;
	_ =	strace $0x8000004B  }
0xb3: {  	_ =	swait.ge [sflag:s29], $0x1  }
0xb4: {  	[sflag:s29] =	ssyncadd.s32 $0xFFFFFFFF  }
0xb5: {  	_ =	strace $0x9000004B  }
0xb6: {  	_ =	sfence  }
0xb7: {  	s30 =	sld [smem:$0x0];
	_ =	sdelay $0x2  }
0xb8: {  	s31 =	sshll.u32 s1, $0xD;
	s1 =	sshrl.u32 s1, $0x2  }
0xb9: {  	s3 =	sand.u32 $0x4000, s31;
	s1 =	sadd.s32 s1, s30  }
0xba: {  	s0 =	sor.u32 s3, s0;
	s1 =	sshll.u32 s1, $0x11  }
0xbb: {  	s0 =	sor.u32 s1, s0  }
0xbc: {  	s0 =	sadd.s32 $0x8F2B, s0  }
0xbd: {  	[sflag:s0] =	ssyncadd.remote.s32 $0x1  }
0xbe: {  	_ =	sfence.sel $0xFFFF  }
0xbf: {  	[dreg:$0x0] =	wrdreg $0xFFFFFFFF;
	(pc) =	sbr.abs _section_cstart, $3  }
0xc0: {  	[dreg:$0x1] =	wrdreg $0xFFFFFFFF  }
0xc1: {  	_ =	task.clear_ibuf [dreg:s6], $0x2FFFF;
	_ =	strace $0x9FFFFFFF  }
0xc2: {  	(tm) =	ssettm $0x7FFFFFFF  }
0xc3: {  	_ =	shalt  }
tec
execute0_lowered:
.L_overlay_start_1:
0x0: {  	(tag) =	ssettag $0x1  }
0x1: {  	s0 =	srdreg.scid;
	s7 =	rddreg [dreg:$0x0]  }
0x2: {  	s2 =	rddreg [dreg:$0x1];
	s3 =	simm.s32 $0x0;
	s13 =	simm.s32 $0x2800  }
0x3: {  	s14 =	simm.s32 $0x80;
	s6 =	sand.u32 $0x1, s0;
	s0 =	stileid.u32  }
0x4: {  	s15 =	simm.s32 $0x5000;
	s16 =	simm.s32 $0x1;
	s8 =	smul.u32 $0x2800, s0  }
0x5: {  	s17 =	simm.s32 $0x0;
	[smem:$0x7FF] =	sst s3;
	s9 =	smul.u32 $0x28000, s6  }
0x6: {  	s1 =	sshll.u32 s6, $0x4;
	s11 =	smul.u32 $0x50000, s0;
	s6 =	ssub.s32 $0x2, s6  }
0x7: {  	s31 =	sshll.u32 s0, $0x6;
	s4 =	sor.u32 s0, s1;
	s1 =	rddreg [dreg:$0x2]  }
0x8: {  	_ =	strace $0x8000004A;
	s28 =	sshrl.u32 s6, $0x1;
	s5 =	smul.u32 $0x500, s4  }
0x9: {  	s4 =	sadd.s32 $0x6600, s7;
	s8 =	sadd.s32 s8, s9;
	s29 =	sshrl.u32 s11, $0x2  }
0xa: {  	s30 =	ssub.s32 s6, s28;
	s6 =	sor.u32 $0x1C02, s31;
	s9 =	sadd.s32 s8, s7  }
0xb: {  	s12 =	sadd.s32 s29, s2;
	s10 =	sadd.s32 s5, s7;
	s5 =	sadd.s32 $0x2E600, s7  }
0xc: {  	s9 =	sadd.s32 $0x93A00, s9;
	s11 =	sshrl.u32 s12, $0x3;
	s12 =	simm.s32 $0x2  }
0xd: {  	s7 =	sadd.s32 $0x89A00, s10;
	s8 =	sadd.s32 $0x7FA00, s10;
	s10 =	smax.u32 s30, $0x1  }
.LBB2_1:
0xe: {  	[spmem:s11], [sflag:s6] =	dma.local [hbm:s5], $0x2800  }
0xf: {  	_ =	swait.ge [sflag:s12], $0x2800  }
0x10: {  	[sflag:s12] =	ssyncset.done $0x0  }
0x11: {  	[sflag:s12] =	ssyncadd.s32 $0xFFFFD800  }
0x12: {  	[tilespmem:s3], [sflag:$0x2] =	stream.linear.gather [hbm4b:s7+s3], $0x2800, $0x38;
	[tilespmem:$0x1D000] =	vst v63  }
0x13: {  	_ =	swait.ge [sflag:s12], $0x2800  }
0x14: {  	[sflag:s12] =	ssyncset.done $0x0  }
0x15: {  	[sflag:s12] =	ssyncadd.s32 $0xFFFFD800  }
0x16: {  	[tilespmem:s13], [sflag:$0x2] =	stream.linear.gather [hbm4b:s8+s3], $0x2800, $0x38;
	[tilespmem:$0x1D000] =	vst v63  }
0x17: {  	_ =	swait.ge [sflag:s12], $0x2800  }
0x18: {  	[sflag:s12] =	ssyncset.done $0x0  }
0x19: {  	[sflag:s12] =	ssyncadd.s32 $0xFFFFD800  }
0x1a: {  	s18 =	simm.s32 $0x0;
	[bflag:$0x0] =	sbarrier.arrive $0xFFFF  }
0x1b: {  	[tilespmem:s15], [sflag:$0x1] =	stream.indirect.gather [hbm4b:s4+s14], $0x80, s18, s14, $0xb8;
	[tilespmem:$0x1D000] =	vst v63  }
0x1c: {  	_ =	swait.ge [sflag:s16], $0x4000  }
0x1d: {  	[sflag:s16] =	ssyncset.done $0x0  }
0x1e: {  	s31 =	simm.s32 $0x2800;
	[sflag:s16] =	ssyncadd.s32 $0xFFFFC000  }
0x1f: {  	[spmem:s2] =	stream.indirect.scatter.add.f32 [tilespmem:s15], [sflag:$0x2], $0x80, s31, s14, $0xb8;
	[tilespmem:$0x1D000] =	vst v63  }
0x20: {  	_ =	swait.ge [sflag:s12], $0x4000  }
0x21: {  	s19 =	simm.s32 $0x400;
	s18 =	simm.s32 $0x200;
	[sflag:s12] =	ssyncset.done $0x0  }
.LBB2_2:
0x22: {  	s20 =	sshra.s32 s18, $0x2  }
0x23: {  	[sflag:s12] =	ssyncadd.s32 $0xFFFFC000;
	s18 =	smov.u32 s19;
	s21 =	sadd.s32 $0x200, s19  }
0x24: {  	[tilespmem:s15], [sflag:$0x1] =	stream.indirect.gather [hbm4b:s4+s14], $0x80, s20, s14, $0xb8;
	[tilespmem:$0x1D000] =	vst v63  }
0x25: {  	p0 =	sne.s32 s19, $0x9E00;
	_ =	swait.ge [sflag:s16], $0x4000  }
.Ltmp0:
0x26: {  	[sflag:s16] =	ssyncset.done $0x0;
	(pc) =	sbr.rel @p0 .LBB2_2-.Ltmp0, $4  }
0x27: {  	s19 =	sadd.s32 $0x2800, s20;
	[sflag:s16] =	ssyncadd.s32 $0xFFFFC000  }
0x28: {  	[spmem:s2] =	stream.indirect.scatter.add.f32 [tilespmem:s15], [sflag:$0x2], $0x80, s19, s14, $0xb8;
	[tilespmem:$0x1D000] =	vst v63  }
0x29: {  	_ =	swait.ge [sflag:s12], $0x4000  }
0x2a: {  	s19 =	smov.u32 s21;
	[sflag:s12] =	ssyncset.done $0x0  }
0x2b: {  	s18 =	sshra.s32 s18, $0x2;
	[sflag:s12] =	ssyncadd.s32 $0xFFFFC000  }
0x2c: {  	[tilespmem:s15], [sflag:$0x1] =	stream.indirect.gather [hbm4b:s4+s14], $0x80, s18, s14, $0xb8;
	[tilespmem:$0x1D000] =	vst v63  }
0x2d: {  	_ =	swait.ge [sflag:s16], $0x4000  }
0x2e: {  	[sflag:s16] =	ssyncset.done $0x0  }
0x2f: {  	s18 =	sadd.s32 $0x2800, s18;
	[sflag:s16] =	ssyncadd.s32 $0xFFFFC000  }
0x30: {  	[spmem:s2] =	stream.indirect.scatter.add.f32 [tilespmem:s15], [sflag:$0x2], $0x80, s18, s14, $0xb8;
	[tilespmem:$0x1D000] =	vst v63  }
0x31: {  	_ =	swait.ge [sflag:s12], $0x4000  }
0x32: {  	s17 =	sadd.s32 $0x1, s17;
	[sflag:s12] =	ssyncset.done $0x0  }
0x33: {  	p0 =	sne.s32 s17, s10;
	[sflag:s12] =	ssyncadd.s32 $0xFFFFC000  }
.Ltmp1:
0x34: {  	[bflag:$0x0] =	sbarrier.arrive $0xFFFF;
	(pc) =	sbr.rel @p0 .LBB2_1-.Ltmp1, $4  }
0x35: {  	[hbm:s9], [sflag:s6] =	dma.local [spmem:s11], $0x2800  }
0x36: {  	_ =	swait.ge [sflag:s12], $0x2800  }
0x37: {  	[sflag:s12] =	ssyncset.done $0x0  }
0x38: {  	[sflag:s12] =	ssyncadd.s32 $0xFFFFD800  }
0x39: {  	_ =	sfence.sel $0x180000  }
0x3a: {  	[bflag:$0x0] =	sbarrier.arrive $0xFFFF  }
0x3b: {  	p0 =	sne.s32 s0, $0x0;
	_ =	strace $0x9000004A  }
0x3c: {  	s0 =	sadd.s32 @!p0 $0x100000, s1;
	[bflag:$0x2] =	sbarrier.arrive $0xFFFF  }
0x3d: {  	[sflag:s0] =	ssyncadd.tile.s32 @!p0 $0x1;
	_ =	shalt  }
.Lfunc_end2:
_tile_overlayer_lowered:
.L_overlay_start_2:
0x3e: {  	(tag) =	ssettag $0x2  }
0x3f: {  	s0 =	rddreg [dreg:$0x0];
	s2 =	stileid.u32  }
0x40: {  	s1 =	rddreg [dreg:$0x1];
	p0 =	sne.s32 s2, $0x0  }
0x41: {  	s3 =	rddreg [dreg:$0x2];
	[bflag:$0x3] =	sbarrier.arrive $0xFFFF;
	s2 =	simm.s32 @!p0 $0x1C02  }
0x42: {  	[timem:s3], [sflag:s2] =	dma.local @!p0 [hbm:s0], s1  }
0x43: {  	s0 =	simm.s32 @!p0 $0x2  }
0x44: {  	_ =	swait.ge @!p0 [sflag:s0], s1  }
0x45: {  	s1 =	ssub.s32 @!p0 $0x0, s1;
	[sflag:s0] =	ssyncset.done @!p0 $0x0  }
0x46: {  	[sflag:s0] =	ssyncadd.s32 @!p0 s1  }
0x47: {  	[bflag:$0x3] =	sbarrier.arrive $0xFFFF  }
0x48: {  	_ =	shalt  }

// kernel: kernel.8.cloned.1.call-start
scs
__scs_entry_jumppad:
0x0: {  	(pc) =	sbr.rel $0x88, $3  }
0x1: {  	(tag) =	ssettag $0x0;
	lr =	simm.s32 $0x1  }
0x2: {  	[smem:$0x3F74] =	sst lr;
	_ =	strace $0xD0000000  }
0x3: {  	_ = 	snop  }
0x4: {  	_ = 	snop  }
0x5: {  	_ = 	snop  }
0x6: {  	_ = 	snop  }
0x7: {  	_ = 	snop  }
__scs_overlays_trampoline_lowered:
0x8: {  	[smem:$0x3F83] =	sst s0  }
0x9: {  	[smem:$0x3F84] =	sst s1  }
0xa: {  	[smem:$0x3F85] =	sst s2  }
0xb: {  	[smem:$0x3F86] =	sst s3  }
0xc: {  	[smem:$0x3F87] =	sst s4  }
0xd: {  	[smem:$0x3F88] =	sst s5  }
0xe: {  	[smem:$0x3F89] =	sst s6  }
0xf: {  	[smem:$0x3F8A] =	sst s7  }
0x10: {  	[smem:$0x3F8B] =	sst s8  }
0x11: {  	[smem:$0x3F8C] =	sst s9;
	s0 =	simm.s32 @!p0 $0x0  }
0x12: {  	s1 =	sld [smem:$0x3F72];
	s0 =	simm.s32 @p0 $0x1  }
0x13: {  	[smem:$0x3F8D] =	sst s0;
	s0 =	simm.s32 @!p1 $0x0  }
0x14: {  	s2 =	sld [smem:$0x3F71];
	s0 =	simm.s32 @p1 $0x1  }
0x15: {  	[smem:$0x3F8E] =	sst s0;
	s0 =	simm.s32 @!p2 $0x0  }
0x16: {  	s3 =	sld [smem:$0x3FDB];
	s0 =	simm.s32 @p2 $0x1  }
0x17: {  	s4 =	simm.s32 $0x1BF5;
	[smem:$0x3F90] =	sst s0  }
0x18: {  	s0 =	sld [smem:$0x3F73];
	_ =	swait.ge [sflag:s4], $0x0  }
0x19: {  	s7 =	sld [smem:$0x3F74]  }
0x1a: {  	s8 =	sadd.s32 $0xFFFFE003, lr  }
0x1b: {  	s9 =	sadd.s32 $0xFFFFFEF7, lr;
	s5 =	simm.s32 $0xFFFFFFFF;
	p2 =	slt.u32 s8, $0xFFFFF086  }
0x1c: {  	p1 =	slt.u32 s9, $0xF7A;
	s5 =	simm.s32 @!p2 $0x0  }
0x1d: {  	s5 =	simm.s32 @p1 $0x1;
	p0 =	seq.s32 s7, s2  }
0x1e: {  	s7 =	smul.u32 @!p0 $0xF7A, s2;
	p2 =	seq.s32 @!p0 s5, $0x0  }
0x1f: {  	s9 =	smul.u32 $0xF7A, s1;
	s8 =	simm.s32 @!p0 $0x1BF5;
	p2 =	por !p2, p0  }
0x20: {  	[sflag:s8] =	ssyncset.s32 @!p0 $0xFFFFF086;
	s6 =	sadd.s32 @!p0 s3, s7;
	s7 =	simm.s32 @!p0 $0x108  }
0x21: {  	s3 =	sadd.s32 s3, s9;
	s6 =	sadd.s32 @!p0 $0x88, s6;
	s7 =	simm.s32 @p2 $0x1082  }
0x22: {  	[simem:s7], [sflag:s8] =	dma.local @!p0 [hbm:s6], $0xF7A  }
0x23: {  	s9 =	sor.u32 $0xD0000000, s2;
	s6 =	simm.s32 $0x108;
	_ =	swait.ge @!p0 [sflag:s8], $0x0  }
0x24: {  	s3 =	sadd.s32 $0x88, s3;
	s6 =	simm.s32 @!p1 $0x1082;
	[sflag:s4] =	ssyncset.s32 $0xFFFFF086  }
0x25: {  	[simem:s6], [sflag:s4] =	dma.local [hbm:s3], $0xF7A  }
0x26: {  	[smem:$0x3F74] =	sst s1;
	(tag) =	ssettag s2;
	_ =	strace s9  }
0x27: {  	s1 =	sld [smem:$0x3F84]  }
0x28: {  	s2 =	sld [smem:$0x3F85]  }
0x29: {  	s4 =	sld [smem:$0x3F87]  }
0x2a: {  	p0 =	seq.s32 s5, $0x0;
	s5 =	sld [smem:$0x3F88]  }
0x2b: {  	s6 =	sld [smem:$0x3F89]  }
0x2c: {  	s7 =	sld [smem:$0x3F8A]  }
0x2d: {  	s3 =	simm.s32 $0x108;
	s8 =	sld [smem:$0x3F8B]  }
0x2e: {  	s3 =	simm.s32 @!p0 $0x1082;
	s9 =	sld [smem:$0x3F8C]  }
0x2f: {  	lr =	sadd.s32 s0, s3;
	s0 =	sld [smem:$0x3F83]  }
0x30: {  	s3 =	sld [smem:$0x3F86]  }
0x31: {  	[smem:$0x3F8F] =	sst s10  }
0x32: {  	s10 =	sld [smem:$0x3F8D];
	_ =	sdelay $0x3  }
0x33: {  	p0 =	seq.s32 s10, $0x1;
	s10 =	sld [smem:$0x3F8F];
	_ =	sdelay $0x3  }
0x34: {  	[smem:$0x3F8F] =	sst s10  }
0x35: {  	s10 =	sld [smem:$0x3F8E];
	_ =	sdelay $0x3  }
0x36: {  	p1 =	seq.s32 s10, $0x1;
	s10 =	sld [smem:$0x3F8F];
	_ =	sdelay $0x3  }
0x37: {  	[smem:$0x3F8F] =	sst s10  }
0x38: {  	s10 =	sld [smem:$0x3F90]  }
0x39: {  	_ = 	snop;
	(pc) =	sbr.ind lr, $3  }
0x3a: {  	_ = 	snop  }
0x3b: {  	_ = 	snop  }
0x3c: {  	p2 =	seq.s32 s10, $0x1;
	s10 =	sld [smem:$0x3F8F]  }
0x3d: {  	_ =	shalt  }
0x3e: {  	_ =	shalt  }
0x3f: {  	_ =	shalt  }
0x40: {  	_ =	shalt  }
0x41: {  	_ =	shalt  }
0x42: {  	_ =	shalt  }
0x43: {  	_ =	shalt  }
0x44: {  	_ =	shalt  }
0x45: {  	_ =	shalt  }
0x46: {  	_ =	shalt  }
0x47: {  	_ =	shalt  }
0x48: {  	_ =	shalt  }
0x49: {  	_ =	shalt  }
0x4a: {  	_ =	shalt  }
0x4b: {  	_ =	shalt  }
0x4c: {  	_ =	shalt  }
0x4d: {  	_ =	shalt  }
0x4e: {  	_ =	shalt  }
0x4f: {  	_ =	shalt  }
0x50: {  	_ =	shalt  }
0x51: {  	_ =	shalt  }
0x52: {  	_ =	shalt  }
0x53: {  	_ =	shalt  }
0x54: {  	_ =	shalt  }
0x55: {  	_ =	shalt  }
0x56: {  	_ =	shalt  }
0x57: {  	_ =	shalt  }
0x58: {  	_ =	shalt  }
0x59: {  	_ =	shalt  }
0x5a: {  	_ =	shalt  }
0x5b: {  	_ =	shalt  }
0x5c: {  	_ =	shalt  }
0x5d: {  	_ =	shalt  }
0x5e: {  	_ =	shalt  }
0x5f: {  	_ =	shalt  }
0x60: {  	_ =	shalt  }
0x61: {  	_ =	shalt  }
0x62: {  	_ =	shalt  }
0x63: {  	_ =	shalt  }
0x64: {  	_ =	shalt  }
0x65: {  	_ =	shalt  }
0x66: {  	_ =	shalt  }
0x67: {  	_ =	shalt  }
0x68: {  	_ =	shalt  }
0x69: {  	_ =	shalt  }
0x6a: {  	_ =	shalt  }
0x6b: {  	_ =	shalt  }
0x6c: {  	_ =	shalt  }
0x6d: {  	_ =	shalt  }
0x6e: {  	_ =	shalt  }
0x6f: {  	_ =	shalt  }
0x70: {  	_ =	shalt  }
0x71: {  	_ =	shalt  }
0x72: {  	_ =	shalt  }
0x73: {  	_ =	shalt  }
0x74: {  	_ =	shalt  }
0x75: {  	_ =	shalt  }
0x76: {  	_ =	shalt  }
0x77: {  	_ =	shalt  }
0x78: {  	_ =	shalt  }
0x79: {  	_ =	shalt  }
0x7a: {  	_ =	shalt  }
0x7b: {  	_ =	shalt  }
0x7c: {  	_ =	shalt  }
0x7d: {  	_ =	shalt  }
0x7e: {  	_ =	shalt  }
0x7f: {  	_ =	shalt  }
0x80: {  	_ =	shalt  }
0x81: {  	_ =	shalt  }
0x82: {  	_ =	shalt  }
0x83: {  	_ =	shalt  }
0x84: {  	_ =	shalt  }
0x85: {  	_ =	shalt  }
0x86: {  	_ =	shalt  }
0x87: {  	_ =	shalt  }
.Lfunc_end0:
.L_simem_size_0:
called_computation_lowered:
.L_overlay_start_0:
0x88: {  	s2 =	sld [smem:$0x3FD9]  }
0x89: {  	s3 =	sld [smem:$0x3FFE];
	_ =	sdelay $0x1  }
0x8a: {  	s1 =	srdreg.scid  }
0x8b: {  	s0 =	sand.u32 $0x1, s1  }
0x8c: {  	s16 =	sshll.u32 s0, $0xA;
	s2 =	sadd.s32 s3, s2  }
0x8d: {  	s2 =	sadd.s32 s2, s16  }
0x8e: {  	[smem:$0x3F9B] =	sst s2  }
0x8f: {  	_ = 	snop  }
0x90: {  	(tm) =	ssettm $0x1  }
0x91: {  	s17 =	sld [smem:$0x3FFB];
	_ =	sdelay $0x3  }
0x92: {  	_ =	strace s17  }
0x93: {  	s2 =	sld [smem:$0x3FFC];
	_ =	sdelay $0x3  }
0x94: {  	_ =	strace s2  }
0x95: {  	s2 =	sld [smem:$0x3FFD];
	_ =	sdelay $0x3  }
0x96: {  	_ =	strace s2  }
0x97: {  	_ =	strace $0x8FFFFFFF  }
0x98: {  	s18 =	sld [smem:$0x3FDB];
	_ =	sdelay $0x1  }
0x99: {  	s19 =	simm.s32 $_scs_section_size  }
0x9a: {  	s4 =	simm.s32 $_size__tile_overlayer_lowered;
	s5 =	simm.s32 $_tile_overlayer_lowered  }
0x9b: {  	s22 =	simm.s32 $0x1BFF;
	s21 =	sshll.u32 s5, $0x1;
	s2 =	sadd.s32 s19, s18  }
0x9c: {  	s6 =	simm.s32 $0x0;
	s20 =	sshll.u32 s4, $0x1;
	s4 =	sadd.s32 s21, s2  }
0x9d: {  	[timem:s6], [sflag:s22] =	dma.local [hbm:s4], s20  }
0x9e: {  	_ =	swait.ge [sflag:s22], s20  }
0x9f: {  	s3 =	ssub.s32 $0x0, s20;
	[sflag:s22] =	ssyncset.done $0x0  }
0xa0: {  	[sflag:s22] =	ssyncadd.s32 s3;
	_ =	sdelay $0x1  }
0xa1: {  	s23 =	simm.s32 $0x1B8B  }
0xa2: {  	_ =	swait.ge [sflag:s23], $0x1  }
0xa3: {  	[sflag:s23] =	ssyncset.done $0x0  }
0xa4: {  	s25 =	simm.s32 $0x1B8E;
	s24 =	sld [smem:$0x3FFE];
	[sflag:s23] =	ssyncadd.s32 $0xFFFFFFFF  }
0xa5: {  	s26 =	simm.s32 $execute0_lowered;
	[smem:$0x3FD2] =	sst s25  }
0xa6: {  	s4 =	sshll.u32 s26, $0x1;
	_ =	strace $0x80000046;
	[dreg:$0x1] =	wrdreg $0xFFFFFFFF  }
0xa7: {  	s28 =	simm.s32 $_size_execute0_lowered;
	s2 =	sadd.s32 s2, s4;
	[dreg:$0x0] =	wrdreg $0x0  }
0xa8: {  	s4 =	sshll.u32 s28, $0x1;
	[dreg:$0x2] =	wrdreg s2  }
0xa9: {  	[dreg:$0x3] =	wrdreg s4  }
0xaa: {  	[dreg:$0x4] =	wrdreg $0xC0  }
0xab: {  	_ =	task [dreg:s6], $0x5FFFF  }
0xac: {  	[dreg:$0x1] =	wrdreg $0xFFFFFFFF  }
0xad: {  	[dreg:$0x0] =	wrdreg $0x60  }
0xae: {  	[dreg:$0x2] =	wrdreg s24  }
0xaf: {  	[dreg:$0x3] =	wrdreg $0x90000  }
0xb0: {  	[dreg:$0x4] =	wrdreg $0x130000  }
0xb1: {  	[dreg:$0x5] =	wrdreg $0x9  }
0xb2: {  	_ =	task.clear_ibuf [dreg:s6], $0x6FFFF;
	_ =	strace $0x90000046  }
0xb3: {  	s29 =	simm.s32 $0x9;
	_ =	strace $0x80000048  }
0xb4: {  	_ =	swait.ge [sflag:s29], $0x1  }
0xb5: {  	[sflag:s29] =	ssyncadd.s32 $0xFFFFFFFF  }
0xb6: {  	_ =	strace $0x90000048  }
0xb7: {  	_ =	sfence  }
0xb8: {  	s30 =	sld [smem:$0x0];
	_ =	sdelay $0x2  }
0xb9: {  	s31 =	sshll.u32 s1, $0xD;
	s1 =	sshrl.u32 s1, $0x2  }
0xba: {  	s3 =	sand.u32 $0x4000, s31;
	s1 =	sadd.s32 s1, s30  }
0xbb: {  	s0 =	sor.u32 s3, s0;
	s1 =	sshll.u32 s1, $0x11  }
0xbc: {  	s0 =	sor.u32 s1, s0  }
0xbd: {  	s0 =	sadd.s32 $0x8F2B, s0  }
0xbe: {  	[sflag:s0] =	ssyncadd.remote.s32 $0x1  }
0xbf: {  	_ =	sfence.sel $0xFFFF  }
0xc0: {  	[dreg:$0x0] =	wrdreg $0xFFFFFFFF;
	(pc) =	sbr.abs _section_cstart, $3  }
0xc1: {  	[dreg:$0x1] =	wrdreg $0xFFFFFFFF  }
0xc2: {  	_ =	task.clear_ibuf [dreg:s6], $0x2FFFF;
	_ =	strace $0x9FFFFFFF  }
0xc3: {  	(tm) =	ssettm $0x7FFFFFFF  }
tec
execute0_lowered:
.L_overlay_start_1:
0x0: {  	(tag) =	ssettag $0x1  }
0x1: {  	s8 =	rddreg [dreg:$0x0]  }
0x2: {  	s2 =	rddreg [dreg:$0x1]  }
0x3: {  	s0 =	srdreg.scid;
	s3 =	rddreg [dreg:$0x2]  }
0x4: {  	s4 =	simm.s32 $0x0;
	s16 =	simm.s32 $0x2800;
	s17 =	simm.s32 $0x80  }
0x5: {  	s18 =	simm.s32 $0x5000;
	s19 =	simm.s32 $0x7000;
	s20 =	simm.s32 $0x1  }
0x6: {  	s21 =	simm.s32 $0x2;
	s22 =	simm.s32 $0x4F00;
	s23 =	simm.s32 $0x4F80  }
0x7: {  	s24 =	simm.s32 $0x0;
	s7 =	sand.u32 $0x1, s0;
	s0 =	stileid.u32  }
0x8: {  	[smem:$0x7FF] =	sst s4;
	s5 =	sadd.s32 $0x1A600, s8;
	s9 =	smul.u32 $0x280, s0  }
0x9: {  	s1 =	sshll.u32 s7, $0x4;
	s10 =	smul.u32 $0x5000, s7;
	s7 =	ssub.s32 $0x2, s7  }
0xa: {  	s29 =	smul.u32 $0xA000, s0;
	s31 =	sshll.u32 s0, $0x6;
	s1 =	sor.u32 s0, s1  }
0xb: {  	s30 =	sshrl.u32 s7, $0x1;
	s6 =	smul.u32 $0x500, s1;
	s1 =	rddreg [dreg:$0x3]  }
0xc: {  	_ =	strace $0x80000047;
	s9 =	sadd.s32 s9, s10;
	s13 =	ssub.s32 s7, s30  }
0xd: {  	s14 =	sadd.s32 s29, s2;
	s7 =	sor.u32 $0x1C03, s31;
	s15 =	sadd.s32 s29, s3  }
0xe: {  	s9 =	sshll.u32 s9, $0x3;
	s15 =	sshrl.u32 s15, $0x3;
	s11 =	sadd.s32 s6, s8  }
0xf: {  	s6 =	sadd.s32 $0x2E600, s8;
	s12 =	sadd.s32 s9, s8;
	s8 =	sadd.s32 $0x10600, s11  }
0x10: {  	s9 =	sadd.s32 $0x6600, s11;
	s10 =	sadd.s32 $0x2FA00, s12;
	s11 =	sadd.s32 $0x43A00, s12  }
0x11: {  	s12 =	smax.u32 s13, $0x1;
	s13 =	sshrl.u32 s14, $0x3;
	s14 =	simm.s32 $0x3  }
.LBB2_1:
0x12: {  	[spmem:s13], [sflag:s7] =	dma.local [hbm:s6], $0x1400  }
0x13: {  	_ =	swait.ge [sflag:s14], $0x1400  }
0x14: {  	[sflag:s14] =	ssyncset.done $0x0  }
0x15: {  	[sflag:s14] =	ssyncadd.s32 $0xFFFFEC00  }
0x16: {  	[spmem:s15], [sflag:s7] =	dma.local [hbm:s6], $0x1400  }
0x17: {  	_ =	swait.ge [sflag:s14], $0x1400  }
0x18: {  	[sflag:s14] =	ssyncset.done $0x0  }
0x19: {  	[sflag:s14] =	ssyncadd.s32 $0xFFFFEC00  }
0x1a: {  	[tilespmem:s4], [sflag:$0x3] =	stream.linear.gather [hbm4b:s8+s4], $0x2800, $0x38;
	[tilespmem:$0x1D000] =	vst v63  }
0x1b: {  	_ =	swait.ge [sflag:s14], $0x2800  }
0x1c: {  	[sflag:s14] =	ssyncset.done $0x0  }
0x1d: {  	[sflag:s14] =	ssyncadd.s32 $0xFFFFD800  }
0x1e: {  	[tilespmem:s16], [sflag:$0x3] =	stream.linear.gather [hbm4b:s9+s4], $0x2800, $0x38;
	[tilespmem:$0x1D000] =	vst v63  }
0x1f: {  	_ =	swait.ge [sflag:s14], $0x2800  }
0x20: {  	[sflag:s14] =	ssyncset.done $0x0  }
0x21: {  	[sflag:s14] =	ssyncadd.s32 $0xFFFFD800  }
0x22: {  	[bflag:$0x0] =	sbarrier.arrive $0xFFFF  }
0x23: {  	[tilespmem:s18], [sflag:$0x1] =	stream.indirect.gather [hbm4b:s5+s17], $0x40, s4, s17, $0xb8;
	[tilespmem:$0x1D000] =	vst v63  }
0x24: {  	_ = 	snop  }
0x25: {  	[tilespmem:s19], [sflag:$0x2] =	stream.indirect.gather [hbm4b:s5+s17], $0x40, s17, s17, $0xb8;
	[tilespmem:$0x1D000] =	vst v63  }
0x26: {  	_ =	swait.ge [sflag:s20], $0x2000  }
0x27: {  	[sflag:s20] =	ssyncset.done $0x0  }
0x28: {  	s25 =	simm.s32 $0x2800;
	[sflag:s20] =	ssyncadd.s32 $0xFFFFE000  }
0x29: {  	[spmem:s2] =	stream.indirect.scatter.add.f32 [tilespmem:s18], [sflag:$0x3], $0x40, s25, s17, $0xb8;
	[tilespmem:$0x1D000] =	vst v63  }
0x2a: {  	_ =	swait.ge [sflag:s14], $0x2000  }
0x2b: {  	[sflag:s14] =	ssyncset.done $0x0  }
0x2c: {  	s30 =	simm.s32 $0x100;
	[sflag:s14] =	ssyncadd.s32 $0xFFFFE000  }
0x2d: {  	[tilespmem:s18], [sflag:$0x1] =	stream.indirect.gather [hbm4b:s5+s17], $0x40, s30, s17, $0xb8;
	[tilespmem:$0x1D000] =	vst v63  }
0x2e: {  	_ =	swait.ge [sflag:s21], $0x2000  }
0x2f: {  	[sflag:s21] =	ssyncset.done $0x0  }
0x30: {  	s31 =	simm.s32 $0x2880;
	[sflag:s21] =	ssyncadd.s32 $0xFFFFE000  }
0x31: {  	[spmem:s3] =	stream.indirect.scatter.add.f32 [tilespmem:s19], [sflag:$0x3], $0x40, s31, s17, $0xb8;
	[tilespmem:$0x1D000] =	vst v63  }
0x32: {  	_ =	swait.ge [sflag:s14], $0x2000  }
0x33: {  	[sflag:s14] =	ssyncset.done $0x0  }
0x34: {  	s26 =	simm.s32 $0x180;
	s25 =	simm.s32 $0x400;
	[sflag:s14] =	ssyncadd.s32 $0xFFFFE000  }
.LBB2_2:
0x35: {  	[tilespmem:s19], [sflag:$0x2] =	stream.indirect.gather [hbm4b:s5+s17], $0x40, s26, s17, $0xb8;
	[tilespmem:$0x1D000] =	vst v63  }
0x36: {  	s26 =	smov.u32 s25  }
0x37: {  	p0 =	sne.s32 s25, $0x9800;
	s25 =	sadd.s32 $0x400, s25;
	_ =	swait.ge [sflag:s20], $0x2000  }
0x38: {  	s26 =	sshra.s32 s26, $0x2;
	[sflag:s20] =	ssyncset.done $0x0  }
0x39: {  	s28 =	sadd.s32 $0x2800, s26;
	[sflag:s20] =	ssyncadd.s32 $0xFFFFE000  }
0x3a: {  	[spmem:s2] =	stream.indirect.scatter.add.f32 [tilespmem:s18], [sflag:$0x3], $0x40, s28, s17, $0xb8;
	[tilespmem:$0x1D000] =	vst v63  }
0x3b: {  	_ =	swait.ge [sflag:s14], $0x2000  }
0x3c: {  	[sflag:s14] =	ssyncset.done $0x0  }
0x3d: {  	s28 =	sadd.s32 $0x100, s26;
	[sflag:s14] =	ssyncadd.s32 $0xFFFFE000  }
0x3e: {  	[tilespmem:s18], [sflag:$0x1] =	stream.indirect.gather [hbm4b:s5+s17], $0x40, s28, s17, $0xb8;
	[tilespmem:$0x1D000] =	vst v63  }
0x3f: {  	_ =	swait.ge [sflag:s21], $0x2000  }
0x40: {  	[sflag:s21] =	ssyncset.done $0x0  }
.Ltmp0:
0x41: {  	s28 =	sadd.s32 $0x2880, s26;
	[sflag:s21] =	ssyncadd.s32 $0xFFFFE000;
	(pc) =	sbr.rel @p0 .LBB2_2-.Ltmp0, $4  }
0x42: {  	[spmem:s3] =	stream.indirect.scatter.add.f32 [tilespmem:s19], [sflag:$0x3], $0x40, s28, s17, $0xb8;
	[tilespmem:$0x1D000] =	vst v63  }
0x43: {  	_ =	swait.ge [sflag:s14], $0x2000  }
0x44: {  	[sflag:s14] =	ssyncset.done $0x0  }
0x45: {  	s26 =	sadd.s32 $0x180, s26;
	[sflag:s14] =	ssyncadd.s32 $0xFFFFE000  }
0x46: {  	[tilespmem:s19], [sflag:$0x2] =	stream.indirect.gather [hbm4b:s5+s17], $0x40, s26, s17, $0xb8;
	[tilespmem:$0x1D000] =	vst v63  }
0x47: {  	_ =	swait.ge [sflag:s20], $0x2000  }
0x48: {  	[sflag:s20] =	ssyncset.done $0x0  }
0x49: {  	[sflag:s20] =	ssyncadd.s32 $0xFFFFE000  }
0x4a: {  	[spmem:s2] =	stream.indirect.scatter.add.f32 [tilespmem:s18], [sflag:$0x3], $0x40, s22, s17, $0xb8;
	[tilespmem:$0x1D000] =	vst v63  }
0x4b: {  	_ =	swait.ge [sflag:s14], $0x2000  }
0x4c: {  	[sflag:s14] =	ssyncset.done $0x0  }
0x4d: {  	[sflag:s14] =	ssyncadd.s32 $0xFFFFE000  }
0x4e: {  	_ =	swait.ge [sflag:s21], $0x2000  }
0x4f: {  	[sflag:s21] =	ssyncset.done $0x0  }
0x50: {  	[sflag:s21] =	ssyncadd.s32 $0xFFFFE000  }
0x51: {  	[spmem:s3] =	stream.indirect.scatter.add.f32 [tilespmem:s19], [sflag:$0x3], $0x40, s23, s17, $0xb8;
	[tilespmem:$0x1D000] =	vst v63  }
0x52: {  	_ =	swait.ge [sflag:s14], $0x2000  }
0x53: {  	[sflag:s14] =	ssyncset.done $0x0  }
0x54: {  	[sflag:s14] =	ssyncadd.s32 $0xFFFFE000  }
0x55: {  	[bflag:$0x0] =	sbarrier.arrive $0xFFFF  }
0x56: {  	[hbm:s10], [sflag:s7] =	dma.local [spmem:s13], $0x1400  }
0x57: {  	s24 =	sadd.s32 $0x1, s24;
	_ =	swait.ge [sflag:s14], $0x1400  }
0x58: {  	p0 =	sne.s32 s24, s12;
	[sflag:s14] =	ssyncset.done $0x0  }
.Ltmp1:
0x59: {  	[sflag:s14] =	ssyncadd.s32 $0xFFFFEC00;
	(pc) =	sbr.rel @p0 .LBB2_1-.Ltmp1, $4  }
0x5a: {  	[hbm:s11], [sflag:s7] =	dma.local [spmem:s15], $0x1400  }
0x5b: {  	_ =	swait.ge [sflag:s14], $0x1400  }
0x5c: {  	[sflag:s14] =	ssyncset.done $0x0  }
0x5d: {  	[sflag:s14] =	ssyncadd.s32 $0xFFFFEC00  }
0x5e: {  	_ =	sfence.sel $0x180000  }
0x5f: {  	[bflag:$0x0] =	sbarrier.arrive $0xFFFF  }
0x60: {  	p0 =	sne.s32 s0, $0x0;
	_ =	strace $0x90000047  }
0x61: {  	s0 =	sadd.s32 @!p0 $0x100000, s1;
	[bflag:$0x2] =	sbarrier.arrive $0xFFFF  }
0x62: {  	[sflag:s0] =	ssyncadd.tile.s32 @!p0 $0x1;
	_ =	shalt  }
.Lfunc_end2:
_tile_overlayer_lowered:
.L_overlay_start_2:
0x63: {  	(tag) =	ssettag $0x2  }
0x64: {  	s0 =	rddreg [dreg:$0x0];
	s2 =	stileid.u32  }
0x65: {  	s1 =	rddreg [dreg:$0x1];
	p0 =	sne.s32 s2, $0x0  }
0x66: {  	s3 =	rddreg [dreg:$0x2];
	[bflag:$0x3] =	sbarrier.arrive $0xFFFF;
	s2 =	simm.s32 @!p0 $0x1C03  }
0x67: {  	[timem:s3], [sflag:s2] =	dma.local @!p0 [hbm:s0], s1  }
0x68: {  	s0 =	simm.s32 @!p0 $0x3  }
0x69: {  	_ =	swait.ge @!p0 [sflag:s0], s1  }
0x6a: {  	s1 =	ssub.s32 @!p0 $0x0, s1;
	[sflag:s0] =	ssyncset.done @!p0 $0x0  }
0x6b: {  	[sflag:s0] =	ssyncadd.s32 @!p0 s1  }
0x6c: {  	[bflag:$0x3] =	sbarrier.arrive $0xFFFF  }
0x6d: {  	_ =	shalt  }

</sc_bundles>
